<compile_context>
chip_gen: v7x
topology: tpu7x:2x2x1
jax: 0.10.2.dev20260603
libtpu: 0.0.44.dev20260713+nightly
codegen_flags: <defaults>
</compile_context>

<pallas_src>
import functools

import jax
import jax.numpy as jnp
from jax import lax
from jax.experimental import pallas as pl
from jax.experimental.pallas import tpu as pltpu
from jax.experimental.pallas import tpu_sc as plsc

BATCH = 1024
HIST = 200
D = 128
B = BATCH * HIST
NC = 2
NS = 16
NW = NC * NS
B_PER_W = B // NW
CHUNK = 64
N_CHUNKS = B_PER_W // CHUNK
NBUF = 10
AHEAD = 6

_mesh = plsc.VectorSubcoreMesh(core_axis_name="c", subcore_axis_name="s")


@functools.partial(
    pl.kernel,
    mesh=_mesh,
    out_type=jax.ShapeDtypeStruct((B, D), jnp.float32),
    scratch_types=(
        [pltpu.VMEM((B_PER_W,), jnp.int32)]
        + [pltpu.VMEM((CHUNK, D), jnp.float32) for _ in range(NBUF)]
        + [pltpu.SemaphoreType.DMA for _ in range(2 * NBUF)]
    ),
)
def _embed(idx_hbm, table_hbm, out_hbm, idx_all, *scr):
    row_bufs = scr[0:NBUF]
    gsems = scr[NBUF:2 * NBUF]
    ssems = scr[2 * NBUF:3 * NBUF]

    wid = lax.axis_index("s") * NC + lax.axis_index("c")
    base = wid * B_PER_W

    pltpu.sync_copy(idx_hbm.at[pl.ds(base, B_PER_W)], idx_all)

    def fire(c, b):
        idx_slice = idx_all.at[pl.ds(c * CHUNK, CHUNK)]
        pltpu.async_copy(table_hbm.at[idx_slice], row_bufs[b], gsems[b])

    def wait_gather(b):
        pltpu.make_async_copy(
            table_hbm.at[idx_all.at[pl.ds(0, CHUNK)]], row_bufs[b],
            gsems[b]).wait()

    def start_store(c, b):
        off = base + c * CHUNK
        pltpu.async_copy(row_bufs[b], out_hbm.at[pl.ds(off, CHUNK)], ssems[b])

    def wait_store(b):
        pltpu.make_async_copy(
            row_bufs[b], out_hbm.at[pl.ds(base, CHUNK)], ssems[b]).wait()

    for c in range(AHEAD):
        fire(c, c)

    @pl.loop(0, N_CHUNKS, step=NBUF)
    def _(g):
        for b in range(NBUF):
            c = g + b
            pf = c + AHEAD
            bpf = (b + AHEAD) % NBUF

            @pl.when(pf >= NBUF)
            def _():
                wait_store(bpf)

            @pl.when(pf < N_CHUNKS)
            def _():
                fire(pf, bpf)

            wait_gather(b)
            start_store(c, b)

    for c in range(N_CHUNKS - (NBUF - AHEAD), N_CHUNKS):
        wait_store(c % NBUF)


def kernel(word_ids, table):
    idx = word_ids.reshape(B).astype(jnp.int32)
    out = _embed(idx, table)
    return out.reshape(BATCH, HIST, D)

# --- scband reference (transcript-rebuilt; emitter-appended) ---
"""Pipeline reference for scband-word-embed-37503654428984 (READ-ONLY COPY).

The authoritative reference and input builder live on the scoring server;
editing this copy changes nothing except your own understanding.
"""

import jax, jax.numpy as jnp
import numpy as np

VOCAB = 100000
EMBED_DIM = 128
BATCH = 1024
HIST_LEN = 200


def setup_inputs(seed: int = 0) -> dict:
    key = jax.random.key(seed)
    k_ids, k_tbl = jax.random.split(key)
    word_ids = jax.random.randint(k_ids, (BATCH, HIST_LEN), 0, VOCAB, dtype=jnp.int64 if jax.config.jax_enable_x64 else jnp.int32)
    table = jax.random.normal(k_tbl, (VOCAB, EMBED_DIM), dtype=jnp.float32) * 0.02
    return {"word_ids": word_ids, "table": table}


def reference(word_ids, table):
    # Embedding lookup: equivalent to nn.Embedding.from_pretrained(table, freeze=False)(word_ids)
    return jnp.take(table, word_ids, axis=0)

if __name__ == "__main__":
    import jax
    _d = setup_inputs()
    print(jax.jit(kernel)(*tuple(_d.values())))

</pallas_src>

<mosaic_0001>
#map = affine_map<(d0, d1) -> (0)>
#map1 = affine_map<(d0, d1) -> (0, 0)>
module attributes {stable_mosaic.version = 14 : i64} {
  func.func @_embed(%arg0: i32, %arg1: i32, %arg2: memref<204800xi32, #tpu.memory_space<hbm>>, %arg3: memref<100000x128xf32, #tpu.memory_space<hbm>>, %arg4: memref<204800x128xf32, #tpu.memory_space<hbm>>, %arg5: memref<6400xi32, #tpu.memory_space<vmem>>, %arg6: memref<64x128xf32, #tpu.memory_space<vmem>>, %arg7: memref<64x128xf32, #tpu.memory_space<vmem>>, %arg8: memref<64x128xf32, #tpu.memory_space<vmem>>, %arg9: memref<64x128xf32, #tpu.memory_space<vmem>>, %arg10: memref<64x128xf32, #tpu.memory_space<vmem>>, %arg11: memref<64x128xf32, #tpu.memory_space<vmem>>, %arg12: memref<64x128xf32, #tpu.memory_space<vmem>>, %arg13: memref<64x128xf32, #tpu.memory_space<vmem>>, %arg14: memref<64x128xf32, #tpu.memory_space<vmem>>, %arg15: memref<64x128xf32, #tpu.memory_space<vmem>>, %arg16: memref<!tpu.dma_semaphore, #tpu.memory_space<semaphore_mem>>, %arg17: memref<!tpu.dma_semaphore, #tpu.memory_space<semaphore_mem>>, %arg18: memref<!tpu.dma_semaphore, #tpu.memory_space<semaphore_mem>>, %arg19: memref<!tpu.dma_semaphore, #tpu.memory_space<semaphore_mem>>, %arg20: memref<!tpu.dma_semaphore, #tpu.memory_space<semaphore_mem>>, %arg21: memref<!tpu.dma_semaphore, #tpu.memory_space<semaphore_mem>>, %arg22: memref<!tpu.dma_semaphore, #tpu.memory_space<semaphore_mem>>, %arg23: memref<!tpu.dma_semaphore, #tpu.memory_space<semaphore_mem>>, %arg24: memref<!tpu.dma_semaphore, #tpu.memory_space<semaphore_mem>>, %arg25: memref<!tpu.dma_semaphore, #tpu.memory_space<semaphore_mem>>, %arg26: memref<!tpu.dma_semaphore, #tpu.memory_space<semaphore_mem>>, %arg27: memref<!tpu.dma_semaphore, #tpu.memory_space<semaphore_mem>>, %arg28: memref<!tpu.dma_semaphore, #tpu.memory_space<semaphore_mem>>, %arg29: memref<!tpu.dma_semaphore, #tpu.memory_space<semaphore_mem>>, %arg30: memref<!tpu.dma_semaphore, #tpu.memory_space<semaphore_mem>>, %arg31: memref<!tpu.dma_semaphore, #tpu.memory_space<semaphore_mem>>, %arg32: memref<!tpu.dma_semaphore, #tpu.memory_space<semaphore_mem>>, %arg33: memref<!tpu.dma_semaphore, #tpu.memory_space<semaphore_mem>>, %arg34: memref<!tpu.dma_semaphore, #tpu.memory_space<semaphore_mem>>, %arg35: memref<!tpu.dma_semaphore, #tpu.memory_space<semaphore_mem>>) attributes {dimension_semantics = [#tpu.dimension_semantics<core_parallel>, #tpu.dimension_semantics<subcore_parallel>], iteration_bounds = array<i64: 2, 16>, scalar_prefetch = 0 : i64, scratch_operands = 31 : i64, tpu.core_type = #tpu.core_type<sc_vector_subcore>, window_params = [{transform_indices = #map}, {transform_indices = #map1}, {transform_indices = #map1}]} {
    %mul3A = arith.constant 2 : i32
    %mul3A_0 = arith.muli %arg1, %mul3A : i32
    %add3A = arith.addi %mul3A_0, %arg0 : i32
    %mul3A_1 = arith.constant 6400 : i32
    %mul3A_2 = arith.muli %add3A, %mul3A_1 : i32
    "tpu.region"() ({
      %run_scoped3A = tpu.sem_alloc : memref<!tpu.dma_semaphore, #tpu.memory_space<semaphore_mem>>
      %dma_start3A_51 = tpu.memref_slice %arg2[%mul3A_2] : memref<204800xi32, #tpu.memory_space<hbm>> -> memref<6400xi32, #tpu.memory_space<hbm>>
      %dma_start3A_52 = tpu.memref_slice %arg2[%mul3A_2] : memref<204800xi32, #tpu.memory_space<hbm>> -> memref<6400xi32, #tpu.memory_space<hbm>>
      tpu.enqueue_dma source(%dma_start3A_52 : memref<6400xi32, #tpu.memory_space<hbm>>) target(%arg5 : memref<6400xi32, #tpu.memory_space<vmem>>) target_semaphore(%run_scoped3A : memref<!tpu.dma_semaphore, #tpu.memory_space<semaphore_mem>>)
      %dma_wait3A_53 = tpu.memref_slice %arg2[%mul3A_2] : memref<204800xi32, #tpu.memory_space<hbm>> -> memref<6400xi32, #tpu.memory_space<hbm>>
      %dma_wait3A_54 = tpu.memref_slice %arg2[%mul3A_2] : memref<204800xi32, #tpu.memory_space<hbm>> -> memref<6400xi32, #tpu.memory_space<hbm>>
      tpu.wait_dma2 semaphore(%run_scoped3A : memref<!tpu.dma_semaphore, #tpu.memory_space<semaphore_mem>>) src(%dma_wait3A_54 : memref<6400xi32, #tpu.memory_space<hbm>>) dst(%arg5 : memref<6400xi32, #tpu.memory_space<vmem>>)
      tpu.yield
    }) : () -> ()
    %dma_start3A = arith.constant 0 : i32
    %dma_start3A_3 = tpu.memref_slice %arg5[%dma_start3A] : memref<6400xi32, #tpu.memory_space<vmem>> -> memref<64xi32, #tpu.memory_space<vmem>>
    %dma_start3A_4 = arith.constant 0 : i32
    %dma_start3A_5 = arith.constant 0 : i32
    %dma_start3A_6 = tpu.memref_slice %arg3[%dma_start3A_4, %dma_start3A_5] : memref<100000x128xf32, #tpu.memory_space<hbm>> -> memref<100000x128xf32, #tpu.memory_space<hbm>>
    tpu.enqueue_indirect_dma source(%dma_start3A_6 : memref<100000x128xf32, #tpu.memory_space<hbm>>) target(%arg6 : memref<64x128xf32, #tpu.memory_space<vmem>>) offsets(%dma_start3A_3 : memref<64xi32, #tpu.memory_space<vmem>>) semaphore(%arg16 : memref<!tpu.dma_semaphore, #tpu.memory_space<semaphore_mem>>)
    %dma_start3A_7 = arith.constant 64 : i32
    %dma_start3A_8 = tpu.memref_slice %arg5[%dma_start3A_7] : memref<6400xi32, #tpu.memory_space<vmem>> -> memref<64xi32, #tpu.memory_space<vmem>>
    %dma_start3A_9 = arith.constant 0 : i32
    %dma_start3A_10 = arith.constant 0 : i32
    %dma_start3A_11 = tpu.memref_slice %arg3[%dma_start3A_9, %dma_start3A_10] : memref<100000x128xf32, #tpu.memory_space<hbm>> -> memref<100000x128xf32, #tpu.memory_space<hbm>>
    tpu.enqueue_indirect_dma source(%dma_start3A_11 : memref<100000x128xf32, #tpu.memory_space<hbm>>) target(%arg7 : memref<64x128xf32, #tpu.memory_space<vmem>>) offsets(%dma_start3A_8 : memref<64xi32, #tpu.memory_space<vmem>>) semaphore(%arg17 : memref<!tpu.dma_semaphore, #tpu.memory_space<semaphore_mem>>)
    %dma_start3A_12 = arith.constant 128 : i32
    %dma_start3A_13 = tpu.memref_slice %arg5[%dma_start3A_12] : memref<6400xi32, #tpu.memory_space<vmem>> -> memref<64xi32, #tpu.memory_space<vmem>>
    %dma_start3A_14 = arith.constant 0 : i32
    %dma_start3A_15 = arith.constant 0 : i32
    %dma_start3A_16 = tpu.memref_slice %arg3[%dma_start3A_14, %dma_start3A_15] : memref<100000x128xf32, #tpu.memory_space<hbm>> -> memref<100000x128xf32, #tpu.memory_space<hbm>>
    tpu.enqueue_indirect_dma source(%dma_start3A_16 : memref<100000x128xf32, #tpu.memory_space<hbm>>) target(%arg8 : memref<64x128xf32, #tpu.memory_space<vmem>>) offsets(%dma_start3A_13 : memref<64xi32, #tpu.memory_space<vmem>>) semaphore(%arg18 : memref<!tpu.dma_semaphore, #tpu.memory_space<semaphore_mem>>)
    %dma_start3A_17 = arith.constant 192 : i32
    %dma_start3A_18 = tpu.memref_slice %arg5[%dma_start3A_17] : memref<6400xi32, #tpu.memory_space<vmem>> -> memref<64xi32, #tpu.memory_space<vmem>>
    %dma_start3A_19 = arith.constant 0 : i32
    %dma_start3A_20 = arith.constant 0 : i32
    %dma_start3A_21 = tpu.memref_slice %arg3[%dma_start3A_19, %dma_start3A_20] : memref<100000x128xf32, #tpu.memory_space<hbm>> -> memref<100000x128xf32, #tpu.memory_space<hbm>>
    tpu.enqueue_indirect_dma source(%dma_start3A_21 : memref<100000x128xf32, #tpu.memory_space<hbm>>) target(%arg9 : memref<64x128xf32, #tpu.memory_space<vmem>>) offsets(%dma_start3A_18 : memref<64xi32, #tpu.memory_space<vmem>>) semaphore(%arg19 : memref<!tpu.dma_semaphore, #tpu.memory_space<semaphore_mem>>)
    %dma_start3A_22 = arith.constant 256 : i32
    %dma_start3A_23 = tpu.memref_slice %arg5[%dma_start3A_22] : memref<6400xi32, #tpu.memory_space<vmem>> -> memref<64xi32, #tpu.memory_space<vmem>>
    %dma_start3A_24 = arith.constant 0 : i32
    %dma_start3A_25 = arith.constant 0 : i32
    %dma_start3A_26 = tpu.memref_slice %arg3[%dma_start3A_24, %dma_start3A_25] : memref<100000x128xf32, #tpu.memory_space<hbm>> -> memref<100000x128xf32, #tpu.memory_space<hbm>>
    tpu.enqueue_indirect_dma source(%dma_start3A_26 : memref<100000x128xf32, #tpu.memory_space<hbm>>) target(%arg10 : memref<64x128xf32, #tpu.memory_space<vmem>>) offsets(%dma_start3A_23 : memref<64xi32, #tpu.memory_space<vmem>>) semaphore(%arg20 : memref<!tpu.dma_semaphore, #tpu.memory_space<semaphore_mem>>)
    %dma_start3A_27 = arith.constant 320 : i32
    %dma_start3A_28 = tpu.memref_slice %arg5[%dma_start3A_27] : memref<6400xi32, #tpu.memory_space<vmem>> -> memref<64xi32, #tpu.memory_space<vmem>>
    %dma_start3A_29 = arith.constant 0 : i32
    %dma_start3A_30 = arith.constant 0 : i32
    %dma_start3A_31 = tpu.memref_slice %arg3[%dma_start3A_29, %dma_start3A_30] : memref<100000x128xf32, #tpu.memory_space<hbm>> -> memref<100000x128xf32, #tpu.memory_space<hbm>>
    tpu.enqueue_indirect_dma source(%dma_start3A_31 : memref<100000x128xf32, #tpu.memory_space<hbm>>) target(%arg11 : memref<64x128xf32, #tpu.memory_space<vmem>>) offsets(%dma_start3A_28 : memref<64xi32, #tpu.memory_space<vmem>>) semaphore(%arg21 : memref<!tpu.dma_semaphore, #tpu.memory_space<semaphore_mem>>)
    %scan3A = arith.constant 0 : i32
    %scan3A_32 = arith.constant 10 : i32
    %scan3A_33 = arith.addi %scan3A, %scan3A_32 : i32
    %scan3A_34 = arith.constant 1 : i32
    scf.for %scan3A_51 = %scan3A to %scan3A_33 step %scan3A_34  : i32 {
      %mul3A_52 = arith.constant 10 : i32
      %mul3A_53 = arith.muli %scan3A_51, %mul3A_52 : i32
      %add3A_54 = arith.constant 0 : i32
      %add3A_55 = arith.addi %add3A_54, %mul3A_53 : i32
      %add3A_56 = arith.constant 0 : i32
      %add3A_57 = arith.addi %add3A_55, %add3A_56 : i32
      %add3A_58 = arith.constant 6 : i32
      %add3A_59 = arith.addi %add3A_57, %add3A_58 : i32
      %ge3A = arith.constant 10 : i32
      %ge3A_60 = arith.cmpi sge, %add3A_59, %ge3A : i32
      %convert_element_type3A = arith.extui %ge3A_60 : i1 to i32
      %cond3A = arith.constant 0 : i32
      %cond3A_61 = arith.cmpi ne, %convert_element_type3A, %cond3A : i32
      scf.if %cond3A_61 {
        %dma_wait3A_312 = arith.constant 0 : i32
        %dma_wait3A_313 = tpu.memref_slice %arg4[%mul3A_2, %dma_wait3A_312] : memref<204800x128xf32, #tpu.memory_space<hbm>> -> memref<64x128xf32, #tpu.memory_space<hbm>>
        %dma_wait3A_314 = arith.constant 0 : i32
        %dma_wait3A_315 = tpu.memref_slice %arg4[%mul3A_2, %dma_wait3A_314] : memref<204800x128xf32, #tpu.memory_space<hbm>> -> memref<64x128xf32, #tpu.memory_space<hbm>>
        tpu.wait_dma2 semaphore(%arg32 : memref<!tpu.dma_semaphore, #tpu.memory_space<semaphore_mem>>) src(%arg12 : memref<64x128xf32, #tpu.memory_space<vmem>>) dst(%dma_wait3A_315 : memref<64x128xf32, #tpu.memory_space<hbm>>)
      } else {
      }
      %lt3A = arith.constant 100 : i32
      %lt3A_62 = arith.cmpi slt, %add3A_59, %lt3A : i32
      %convert_element_type3A_63 = arith.extui %lt3A_62 : i1 to i32
      %cond3A_64 = arith.constant 0 : i32
      %cond3A_65 = arith.cmpi ne, %convert_element_type3A_63, %cond3A_64 : i32
      scf.if %cond3A_65 {
        %mul3A_312 = arith.constant 64 : i32
        %mul3A_313 = arith.muli %add3A_59, %mul3A_312 : i32
        %dma_start3A_314 = tpu.memref_slice %arg5[%mul3A_313] : memref<6400xi32, #tpu.memory_space<vmem>> -> memref<64xi32, #tpu.memory_space<vmem>>
        %dma_start3A_315 = arith.constant 0 : i32
        %dma_start3A_316 = arith.constant 0 : i32
        %dma_start3A_317 = tpu.memref_slice %arg3[%dma_start3A_315, %dma_start3A_316] : memref<100000x128xf32, #tpu.memory_space<hbm>> -> memref<100000x128xf32, #tpu.memory_space<hbm>>
        tpu.enqueue_indirect_dma source(%dma_start3A_317 : memref<100000x128xf32, #tpu.memory_space<hbm>>) target(%arg12 : memref<64x128xf32, #tpu.memory_space<vmem>>) offsets(%dma_start3A_314 : memref<64xi32, #tpu.memory_space<vmem>>) semaphore(%arg22 : memref<!tpu.dma_semaphore, #tpu.memory_space<semaphore_mem>>)
      } else {
      }
      %dma_wait3A_66 = arith.constant 0 : i32
      %dma_wait3A_67 = tpu.memref_slice %arg5[%dma_wait3A_66] : memref<6400xi32, #tpu.memory_space<vmem>> -> memref<64xi32, #tpu.memory_space<vmem>>
      %dma_wait3A_68 = arith.constant 0 : i32
      %dma_wait3A_69 = arith.constant 0 : i32
      %dma_wait3A_70 = tpu.memref_slice %arg3[%dma_wait3A_68, %dma_wait3A_69] : memref<100000x128xf32, #tpu.memory_space<hbm>> -> memref<100000x128xf32, #tpu.memory_space<hbm>>
      tpu.wait_indirect_dma semaphore(%arg16 : memref<!tpu.dma_semaphore, #tpu.memory_space<semaphore_mem>>) src(%dma_wait3A_70 : memref<100000x128xf32, #tpu.memory_space<hbm>>) dst(%arg6 : memref<64x128xf32, #tpu.memory_space<vmem>>)
      %mul3A_71 = arith.constant 64 : i32
      %mul3A_72 = arith.muli %add3A_57, %mul3A_71 : i32
      %add3A_73 = arith.addi %mul3A_2, %mul3A_72 : i32
      %dma_start3A_74 = arith.constant 0 : i32
      %dma_start3A_75 = tpu.memref_slice %arg4[%add3A_73, %dma_start3A_74] : memref<204800x128xf32, #tpu.memory_space<hbm>> -> memref<64x128xf32, #tpu.memory_space<hbm>>
      %dma_start3A_76 = arith.constant 0 : i32
      %dma_start3A_77 = tpu.memref_slice %arg4[%add3A_73, %dma_start3A_76] : memref<204800x128xf32, #tpu.memory_space<hbm>> -> memref<64x128xf32, #tpu.memory_space<hbm>>
      tpu.enqueue_dma source(%arg6 : memref<64x128xf32, #tpu.memory_space<vmem>>) target(%dma_start3A_77 : memref<64x128xf32, #tpu.memory_space<hbm>>) target_semaphore(%arg26 : memref<!tpu.dma_semaphore, #tpu.memory_space<semaphore_mem>>)
      %add3A_78 = arith.constant 1 : i32
      %add3A_79 = arith.addi %add3A_55, %add3A_78 : i32
      %add3A_80 = arith.constant 6 : i32
      %add3A_81 = arith.addi %add3A_79, %add3A_80 : i32
      %ge3A_82 = arith.constant 10 : i32
      %ge3A_83 = arith.cmpi sge, %add3A_81, %ge3A_82 : i32
      %convert_element_type3A_84 = arith.extui %ge3A_83 : i1 to i32
      %cond3A_85 = arith.constant 0 : i32
      %cond3A_86 = arith.cmpi ne, %convert_element_type3A_84, %cond3A_85 : i32
      scf.if %cond3A_86 {
        %dma_wait3A_312 = arith.constant 0 : i32
        %dma_wait3A_313 = tpu.memref_slice %arg4[%mul3A_2, %dma_wait3A_312] : memref<204800x128xf32, #tpu.memory_space<hbm>> -> memref<64x128xf32, #tpu.memory_space<hbm>>
        %dma_wait3A_314 = arith.constant 0 : i32
        %dma_wait3A_315 = tpu.memref_slice %arg4[%mul3A_2, %dma_wait3A_314] : memref<204800x128xf32, #tpu.memory_space<hbm>> -> memref<64x128xf32, #tpu.memory_space<hbm>>
        tpu.wait_dma2 semaphore(%arg33 : memref<!tpu.dma_semaphore, #tpu.memory_space<semaphore_mem>>) src(%arg13 : memref<64x128xf32, #tpu.memory_space<vmem>>) dst(%dma_wait3A_315 : memref<64x128xf32, #tpu.memory_space<hbm>>)
      } else {
      }
      %lt3A_87 = arith.constant 100 : i32
      %lt3A_88 = arith.cmpi slt, %add3A_81, %lt3A_87 : i32
      %convert_element_type3A_89 = arith.extui %lt3A_88 : i1 to i32
      %cond3A_90 = arith.constant 0 : i32
      %cond3A_91 = arith.cmpi ne, %convert_element_type3A_89, %cond3A_90 : i32
      scf.if %cond3A_91 {
        %mul3A_312 = arith.constant 64 : i32
        %mul3A_313 = arith.muli %add3A_81, %mul3A_312 : i32
        %dma_start3A_314 = tpu.memref_slice %arg5[%mul3A_313] : memref<6400xi32, #tpu.memory_space<vmem>> -> memref<64xi32, #tpu.memory_space<vmem>>
        %dma_start3A_315 = arith.constant 0 : i32
        %dma_start3A_316 = arith.constant 0 : i32
        %dma_start3A_317 = tpu.memref_slice %arg3[%dma_start3A_315, %dma_start3A_316] : memref<100000x128xf32, #tpu.memory_space<hbm>> -> memref<100000x128xf32, #tpu.memory_space<hbm>>
        tpu.enqueue_indirect_dma source(%dma_start3A_317 : memref<100000x128xf32, #tpu.memory_space<hbm>>) target(%arg13 : memref<64x128xf32, #tpu.memory_space<vmem>>) offsets(%dma_start3A_314 : memref<64xi32, #tpu.memory_space<vmem>>) semaphore(%arg23 : memref<!tpu.dma_semaphore, #tpu.memory_space<semaphore_mem>>)
      } else {
      }
      %dma_wait3A_92 = arith.constant 0 : i32
      %dma_wait3A_93 = tpu.memref_slice %arg5[%dma_wait3A_92] : memref<6400xi32, #tpu.memory_space<vmem>> -> memref<64xi32, #tpu.memory_space<vmem>>
      %dma_wait3A_94 = arith.constant 0 : i32
      %dma_wait3A_95 = arith.constant 0 : i32
      %dma_wait3A_96 = tpu.memref_slice %arg3[%dma_wait3A_94, %dma_wait3A_95] : memref<100000x128xf32, #tpu.memory_space<hbm>> -> memref<100000x128xf32, #tpu.memory_space<hbm>>
      tpu.wait_indirect_dma semaphore(%arg17 : memref<!tpu.dma_semaphore, #tpu.memory_space<semaphore_mem>>) src(%dma_wait3A_96 : memref<100000x128xf32, #tpu.memory_space<hbm>>) dst(%arg7 : memref<64x128xf32, #tpu.memory_space<vmem>>)
      %mul3A_97 = arith.constant 64 : i32
      %mul3A_98 = arith.muli %add3A_79, %mul3A_97 : i32
      %add3A_99 = arith.addi %mul3A_2, %mul3A_98 : i32
      %dma_start3A_100 = arith.constant 0 : i32
      %dma_start3A_101 = tpu.memref_slice %arg4[%add3A_99, %dma_start3A_100] : memref<204800x128xf32, #tpu.memory_space<hbm>> -> memref<64x128xf32, #tpu.memory_space<hbm>>
      %dma_start3A_102 = arith.constant 0 : i32
      %dma_start3A_103 = tpu.memref_slice %arg4[%add3A_99, %dma_start3A_102] : memref<204800x128xf32, #tpu.memory_space<hbm>> -> memref<64x128xf32, #tpu.memory_space<hbm>>
      tpu.enqueue_dma source(%arg7 : memref<64x128xf32, #tpu.memory_space<vmem>>) target(%dma_start3A_103 : memref<64x128xf32, #tpu.memory_space<hbm>>) target_semaphore(%arg27 : memref<!tpu.dma_semaphore, #tpu.memory_space<semaphore_mem>>)
      %add3A_104 = arith.constant 2 : i32
      %add3A_105 = arith.addi %add3A_55, %add3A_104 : i32
      %add3A_106 = arith.constant 6 : i32
      %add3A_107 = arith.addi %add3A_105, %add3A_106 : i32
      %ge3A_108 = arith.constant 10 : i32
      %ge3A_109 = arith.cmpi sge, %add3A_107, %ge3A_108 : i32
      %convert_element_type3A_110 = arith.extui %ge3A_109 : i1 to i32
      %cond3A_111 = arith.constant 0 : i32
      %cond3A_112 = arith.cmpi ne, %convert_element_type3A_110, %cond3A_111 : i32
      scf.if %cond3A_112 {
        %dma_wait3A_312 = arith.constant 0 : i32
        %dma_wait3A_313 = tpu.memref_slice %arg4[%mul3A_2, %dma_wait3A_312] : memref<204800x128xf32, #tpu.memory_space<hbm>> -> memref<64x128xf32, #tpu.memory_space<hbm>>
        %dma_wait3A_314 = arith.constant 0 : i32
        %dma_wait3A_315 = tpu.memref_slice %arg4[%mul3A_2, %dma_wait3A_314] : memref<204800x128xf32, #tpu.memory_space<hbm>> -> memref<64x128xf32, #tpu.memory_space<hbm>>
        tpu.wait_dma2 semaphore(%arg34 : memref<!tpu.dma_semaphore, #tpu.memory_space<semaphore_mem>>) src(%arg14 : memref<64x128xf32, #tpu.memory_space<vmem>>) dst(%dma_wait3A_315 : memref<64x128xf32, #tpu.memory_space<hbm>>)
      } else {
      }
      %lt3A_113 = arith.constant 100 : i32
      %lt3A_114 = arith.cmpi slt, %add3A_107, %lt3A_113 : i32
      %convert_element_type3A_115 = arith.extui %lt3A_114 : i1 to i32
      %cond3A_116 = arith.constant 0 : i32
      %cond3A_117 = arith.cmpi ne, %convert_element_type3A_115, %cond3A_116 : i32
      scf.if %cond3A_117 {
        %mul3A_312 = arith.constant 64 : i32
        %mul3A_313 = arith.muli %add3A_107, %mul3A_312 : i32
        %dma_start3A_314 = tpu.memref_slice %arg5[%mul3A_313] : memref<6400xi32, #tpu.memory_space<vmem>> -> memref<64xi32, #tpu.memory_space<vmem>>
        %dma_start3A_315 = arith.constant 0 : i32
        %dma_start3A_316 = arith.constant 0 : i32
        %dma_start3A_317 = tpu.memref_slice %arg3[%dma_start3A_315, %dma_start3A_316] : memref<100000x128xf32, #tpu.memory_space<hbm>> -> memref<100000x128xf32, #tpu.memory_space<hbm>>
        tpu.enqueue_indirect_dma source(%dma_start3A_317 : memref<100000x128xf32, #tpu.memory_space<hbm>>) target(%arg14 : memref<64x128xf32, #tpu.memory_space<vmem>>) offsets(%dma_start3A_314 : memref<64xi32, #tpu.memory_space<vmem>>) semaphore(%arg24 : memref<!tpu.dma_semaphore, #tpu.memory_space<semaphore_mem>>)
      } else {
      }
      %dma_wait3A_118 = arith.constant 0 : i32
      %dma_wait3A_119 = tpu.memref_slice %arg5[%dma_wait3A_118] : memref<6400xi32, #tpu.memory_space<vmem>> -> memref<64xi32, #tpu.memory_space<vmem>>
      %dma_wait3A_120 = arith.constant 0 : i32
      %dma_wait3A_121 = arith.constant 0 : i32
      %dma_wait3A_122 = tpu.memref_slice %arg3[%dma_wait3A_120, %dma_wait3A_121] : memref<100000x128xf32, #tpu.memory_space<hbm>> -> memref<100000x128xf32, #tpu.memory_space<hbm>>
      tpu.wait_indirect_dma semaphore(%arg18 : memref<!tpu.dma_semaphore, #tpu.memory_space<semaphore_mem>>) src(%dma_wait3A_122 : memref<100000x128xf32, #tpu.memory_space<hbm>>) dst(%arg8 : memref<64x128xf32, #tpu.memory_space<vmem>>)
      %mul3A_123 = arith.constant 64 : i32
      %mul3A_124 = arith.muli %add3A_105, %mul3A_123 : i32
      %add3A_125 = arith.addi %mul3A_2, %mul3A_124 : i32
      %dma_start3A_126 = arith.constant 0 : i32
      %dma_start3A_127 = tpu.memref_slice %arg4[%add3A_125, %dma_start3A_126] : memref<204800x128xf32, #tpu.memory_space<hbm>> -> memref<64x128xf32, #tpu.memory_space<hbm>>
      %dma_start3A_128 = arith.constant 0 : i32
      %dma_start3A_129 = tpu.memref_slice %arg4[%add3A_125, %dma_start3A_128] : memref<204800x128xf32, #tpu.memory_space<hbm>> -> memref<64x128xf32, #tpu.memory_space<hbm>>
      tpu.enqueue_dma source(%arg8 : memref<64x128xf32, #tpu.memory_space<vmem>>) target(%dma_start3A_129 : memref<64x128xf32, #tpu.memory_space<hbm>>) target_semaphore(%arg28 : memref<!tpu.dma_semaphore, #tpu.memory_space<semaphore_mem>>)
      %add3A_130 = arith.constant 3 : i32
      %add3A_131 = arith.addi %add3A_55, %add3A_130 : i32
      %add3A_132 = arith.constant 6 : i32
      %add3A_133 = arith.addi %add3A_131, %add3A_132 : i32
      %ge3A_134 = arith.constant 10 : i32
      %ge3A_135 = arith.cmpi sge, %add3A_133, %ge3A_134 : i32
      %convert_element_type3A_136 = arith.extui %ge3A_135 : i1 to i32
      %cond3A_137 = arith.constant 0 : i32
      %cond3A_138 = arith.cmpi ne, %convert_element_type3A_136, %cond3A_137 : i32
      scf.if %cond3A_138 {
        %dma_wait3A_312 = arith.constant 0 : i32
        %dma_wait3A_313 = tpu.memref_slice %arg4[%mul3A_2, %dma_wait3A_312] : memref<204800x128xf32, #tpu.memory_space<hbm>> -> memref<64x128xf32, #tpu.memory_space<hbm>>
        %dma_wait3A_314 = arith.constant 0 : i32
        %dma_wait3A_315 = tpu.memref_slice %arg4[%mul3A_2, %dma_wait3A_314] : memref<204800x128xf32, #tpu.memory_space<hbm>> -> memref<64x128xf32, #tpu.memory_space<hbm>>
        tpu.wait_dma2 semaphore(%arg35 : memref<!tpu.dma_semaphore, #tpu.memory_space<semaphore_mem>>) src(%arg15 : memref<64x128xf32, #tpu.memory_space<vmem>>) dst(%dma_wait3A_315 : memref<64x128xf32, #tpu.memory_space<hbm>>)
      } else {
      }
      %lt3A_139 = arith.constant 100 : i32
      %lt3A_140 = arith.cmpi slt, %add3A_133, %lt3A_139 : i32
      %convert_element_type3A_141 = arith.extui %lt3A_140 : i1 to i32
      %cond3A_142 = arith.constant 0 : i32
      %cond3A_143 = arith.cmpi ne, %convert_element_type3A_141, %cond3A_142 : i32
      scf.if %cond3A_143 {
        %mul3A_312 = arith.constant 64 : i32
        %mul3A_313 = arith.muli %add3A_133, %mul3A_312 : i32
        %dma_start3A_314 = tpu.memref_slice %arg5[%mul3A_313] : memref<6400xi32, #tpu.memory_space<vmem>> -> memref<64xi32, #tpu.memory_space<vmem>>
        %dma_start3A_315 = arith.constant 0 : i32
        %dma_start3A_316 = arith.constant 0 : i32
        %dma_start3A_317 = tpu.memref_slice %arg3[%dma_start3A_315, %dma_start3A_316] : memref<100000x128xf32, #tpu.memory_space<hbm>> -> memref<100000x128xf32, #tpu.memory_space<hbm>>
        tpu.enqueue_indirect_dma source(%dma_start3A_317 : memref<100000x128xf32, #tpu.memory_space<hbm>>) target(%arg15 : memref<64x128xf32, #tpu.memory_space<vmem>>) offsets(%dma_start3A_314 : memref<64xi32, #tpu.memory_space<vmem>>) semaphore(%arg25 : memref<!tpu.dma_semaphore, #tpu.memory_space<semaphore_mem>>)
      } else {
      }
      %dma_wait3A_144 = arith.constant 0 : i32
      %dma_wait3A_145 = tpu.memref_slice %arg5[%dma_wait3A_144] : memref<6400xi32, #tpu.memory_space<vmem>> -> memref<64xi32, #tpu.memory_space<vmem>>
      %dma_wait3A_146 = arith.constant 0 : i32
      %dma_wait3A_147 = arith.constant 0 : i32
      %dma_wait3A_148 = tpu.memref_slice %arg3[%dma_wait3A_146, %dma_wait3A_147] : memref<100000x128xf32, #tpu.memory_space<hbm>> -> memref<100000x128xf32, #tpu.memory_space<hbm>>
      tpu.wait_indirect_dma semaphore(%arg19 : memref<!tpu.dma_semaphore, #tpu.memory_space<semaphore_mem>>) src(%dma_wait3A_148 : memref<100000x128xf32, #tpu.memory_space<hbm>>) dst(%arg9 : memref<64x128xf32, #tpu.memory_space<vmem>>)
      %mul3A_149 = arith.constant 64 : i32
      %mul3A_150 = arith.muli %add3A_131, %mul3A_149 : i32
      %add3A_151 = arith.addi %mul3A_2, %mul3A_150 : i32
      %dma_start3A_152 = arith.constant 0 : i32
      %dma_start3A_153 = tpu.memref_slice %arg4[%add3A_151, %dma_start3A_152] : memref<204800x128xf32, #tpu.memory_space<hbm>> -> memref<64x128xf32, #tpu.memory_space<hbm>>
      %dma_start3A_154 = arith.constant 0 : i32
      %dma_start3A_155 = tpu.memref_slice %arg4[%add3A_151, %dma_start3A_154] : memref<204800x128xf32, #tpu.memory_space<hbm>> -> memref<64x128xf32, #tpu.memory_space<hbm>>
      tpu.enqueue_dma source(%arg9 : memref<64x128xf32, #tpu.memory_space<vmem>>) target(%dma_start3A_155 : memref<64x128xf32, #tpu.memory_space<hbm>>) target_semaphore(%arg29 : memref<!tpu.dma_semaphore, #tpu.memory_space<semaphore_mem>>)
      %add3A_156 = arith.constant 4 : i32
      %add3A_157 = arith.addi %add3A_55, %add3A_156 : i32
      %add3A_158 = arith.constant 6 : i32
      %add3A_159 = arith.addi %add3A_157, %add3A_158 : i32
      %ge3A_160 = arith.constant 10 : i32
      %ge3A_161 = arith.cmpi sge, %add3A_159, %ge3A_160 : i32
      %convert_element_type3A_162 = arith.extui %ge3A_161 : i1 to i32
      %cond3A_163 = arith.constant 0 : i32
      %cond3A_164 = arith.cmpi ne, %convert_element_type3A_162, %cond3A_163 : i32
      scf.if %cond3A_164 {
        %dma_wait3A_312 = arith.constant 0 : i32
        %dma_wait3A_313 = tpu.memref_slice %arg4[%mul3A_2, %dma_wait3A_312] : memref<204800x128xf32, #tpu.memory_space<hbm>> -> memref<64x128xf32, #tpu.memory_space<hbm>>
        %dma_wait3A_314 = arith.constant 0 : i32
        %dma_wait3A_315 = tpu.memref_slice %arg4[%mul3A_2, %dma_wait3A_314] : memref<204800x128xf32, #tpu.memory_space<hbm>> -> memref<64x128xf32, #tpu.memory_space<hbm>>
        tpu.wait_dma2 semaphore(%arg26 : memref<!tpu.dma_semaphore, #tpu.memory_space<semaphore_mem>>) src(%arg6 : memref<64x128xf32, #tpu.memory_space<vmem>>) dst(%dma_wait3A_315 : memref<64x128xf32, #tpu.memory_space<hbm>>)
      } else {
      }
      %lt3A_165 = arith.constant 100 : i32
      %lt3A_166 = arith.cmpi slt, %add3A_159, %lt3A_165 : i32
      %convert_element_type3A_167 = arith.extui %lt3A_166 : i1 to i32
      %cond3A_168 = arith.constant 0 : i32
      %cond3A_169 = arith.cmpi ne, %convert_element_type3A_167, %cond3A_168 : i32
      scf.if %cond3A_169 {
        %mul3A_312 = arith.constant 64 : i32
        %mul3A_313 = arith.muli %add3A_159, %mul3A_312 : i32
        %dma_start3A_314 = tpu.memref_slice %arg5[%mul3A_313] : memref<6400xi32, #tpu.memory_space<vmem>> -> memref<64xi32, #tpu.memory_space<vmem>>
        %dma_start3A_315 = arith.constant 0 : i32
        %dma_start3A_316 = arith.constant 0 : i32
        %dma_start3A_317 = tpu.memref_slice %arg3[%dma_start3A_315, %dma_start3A_316] : memref<100000x128xf32, #tpu.memory_space<hbm>> -> memref<100000x128xf32, #tpu.memory_space<hbm>>
        tpu.enqueue_indirect_dma source(%dma_start3A_317 : memref<100000x128xf32, #tpu.memory_space<hbm>>) target(%arg6 : memref<64x128xf32, #tpu.memory_space<vmem>>) offsets(%dma_start3A_314 : memref<64xi32, #tpu.memory_space<vmem>>) semaphore(%arg16 : memref<!tpu.dma_semaphore, #tpu.memory_space<semaphore_mem>>)
      } else {
      }
      %dma_wait3A_170 = arith.constant 0 : i32
      %dma_wait3A_171 = tpu.memref_slice %arg5[%dma_wait3A_170] : memref<6400xi32, #tpu.memory_space<vmem>> -> memref<64xi32, #tpu.memory_space<vmem>>
      %dma_wait3A_172 = arith.constant 0 : i32
      %dma_wait3A_173 = arith.constant 0 : i32
      %dma_wait3A_174 = tpu.memref_slice %arg3[%dma_wait3A_172, %dma_wait3A_173] : memref<100000x128xf32, #tpu.memory_space<hbm>> -> memref<100000x128xf32, #tpu.memory_space<hbm>>
      tpu.wait_indirect_dma semaphore(%arg20 : memref<!tpu.dma_semaphore, #tpu.memory_space<semaphore_mem>>) src(%dma_wait3A_174 : memref<100000x128xf32, #tpu.memory_space<hbm>>) dst(%arg10 : memref<64x128xf32, #tpu.memory_space<vmem>>)
      %mul3A_175 = arith.constant 64 : i32
      %mul3A_176 = arith.muli %add3A_157, %mul3A_175 : i32
      %add3A_177 = arith.addi %mul3A_2, %mul3A_176 : i32
      %dma_start3A_178 = arith.constant 0 : i32
      %dma_start3A_179 = tpu.memref_slice %arg4[%add3A_177, %dma_start3A_178] : memref<204800x128xf32, #tpu.memory_space<hbm>> -> memref<64x128xf32, #tpu.memory_space<hbm>>
      %dma_start3A_180 = arith.constant 0 : i32
      %dma_start3A_181 = tpu.memref_slice %arg4[%add3A_177, %dma_start3A_180] : memref<204800x128xf32, #tpu.memory_space<hbm>> -> memref<64x128xf32, #tpu.memory_space<hbm>>
      tpu.enqueue_dma source(%arg10 : memref<64x128xf32, #tpu.memory_space<vmem>>) target(%dma_start3A_181 : memref<64x128xf32, #tpu.memory_space<hbm>>) target_semaphore(%arg30 : memref<!tpu.dma_semaphore, #tpu.memory_space<semaphore_mem>>)
      %add3A_182 = arith.constant 5 : i32
      %add3A_183 = arith.addi %add3A_55, %add3A_182 : i32
      %add3A_184 = arith.constant 6 : i32
      %add3A_185 = arith.addi %add3A_183, %add3A_184 : i32
      %ge3A_186 = arith.constant 10 : i32
      %ge3A_187 = arith.cmpi sge, %add3A_185, %ge3A_186 : i32
      %convert_element_type3A_188 = arith.extui %ge3A_187 : i1 to i32
      %cond3A_189 = arith.constant 0 : i32
      %cond3A_190 = arith.cmpi ne, %convert_element_type3A_188, %cond3A_189 : i32
      scf.if %cond3A_190 {
        %dma_wait3A_312 = arith.constant 0 : i32
        %dma_wait3A_313 = tpu.memref_slice %arg4[%mul3A_2, %dma_wait3A_312] : memref<204800x128xf32, #tpu.memory_space<hbm>> -> memref<64x128xf32, #tpu.memory_space<hbm>>
        %dma_wait3A_314 = arith.constant 0 : i32
        %dma_wait3A_315 = tpu.memref_slice %arg4[%mul3A_2, %dma_wait3A_314] : memref<204800x128xf32, #tpu.memory_space<hbm>> -> memref<64x128xf32, #tpu.memory_space<hbm>>
        tpu.wait_dma2 semaphore(%arg27 : memref<!tpu.dma_semaphore, #tpu.memory_space<semaphore_mem>>) src(%arg7 : memref<64x128xf32, #tpu.memory_space<vmem>>) dst(%dma_wait3A_315 : memref<64x128xf32, #tpu.memory_space<hbm>>)
      } else {
      }
      %lt3A_191 = arith.constant 100 : i32
      %lt3A_192 = arith.cmpi slt, %add3A_185, %lt3A_191 : i32
      %convert_element_type3A_193 = arith.extui %lt3A_192 : i1 to i32
      %cond3A_194 = arith.constant 0 : i32
      %cond3A_195 = arith.cmpi ne, %convert_element_type3A_193, %cond3A_194 : i32
      scf.if %cond3A_195 {
        %mul3A_312 = arith.constant 64 : i32
        %mul3A_313 = arith.muli %add3A_185, %mul3A_312 : i32
        %dma_start3A_314 = tpu.memref_slice %arg5[%mul3A_313] : memref<6400xi32, #tpu.memory_space<vmem>> -> memref<64xi32, #tpu.memory_space<vmem>>
        %dma_start3A_315 = arith.constant 0 : i32
        %dma_start3A_316 = arith.constant 0 : i32
        %dma_start3A_317 = tpu.memref_slice %arg3[%dma_start3A_315, %dma_start3A_316] : memref<100000x128xf32, #tpu.memory_space<hbm>> -> memref<100000x128xf32, #tpu.memory_space<hbm>>
        tpu.enqueue_indirect_dma source(%dma_start3A_317 : memref<100000x128xf32, #tpu.memory_space<hbm>>) target(%arg7 : memref<64x128xf32, #tpu.memory_space<vmem>>) offsets(%dma_start3A_314 : memref<64xi32, #tpu.memory_space<vmem>>) semaphore(%arg17 : memref<!tpu.dma_semaphore, #tpu.memory_space<semaphore_mem>>)
      } else {
      }
      %dma_wait3A_196 = arith.constant 0 : i32
      %dma_wait3A_197 = tpu.memref_slice %arg5[%dma_wait3A_196] : memref<6400xi32, #tpu.memory_space<vmem>> -> memref<64xi32, #tpu.memory_space<vmem>>
      %dma_wait3A_198 = arith.constant 0 : i32
      %dma_wait3A_199 = arith.constant 0 : i32
      %dma_wait3A_200 = tpu.memref_slice %arg3[%dma_wait3A_198, %dma_wait3A_199] : memref<100000x128xf32, #tpu.memory_space<hbm>> -> memref<100000x128xf32, #tpu.memory_space<hbm>>
      tpu.wait_indirect_dma semaphore(%arg21 : memref<!tpu.dma_semaphore, #tpu.memory_space<semaphore_mem>>) src(%dma_wait3A_200 : memref<100000x128xf32, #tpu.memory_space<hbm>>) dst(%arg11 : memref<64x128xf32, #tpu.memory_space<vmem>>)
      %mul3A_201 = arith.constant 64 : i32
      %mul3A_202 = arith.muli %add3A_183, %mul3A_201 : i32
      %add3A_203 = arith.addi %mul3A_2, %mul3A_202 : i32
      %dma_start3A_204 = arith.constant 0 : i32
      %dma_start3A_205 = tpu.memref_slice %arg4[%add3A_203, %dma_start3A_204] : memref<204800x128xf32, #tpu.memory_space<hbm>> -> memref<64x128xf32, #tpu.memory_space<hbm>>
      %dma_start3A_206 = arith.constant 0 : i32
      %dma_start3A_207 = tpu.memref_slice %arg4[%add3A_203, %dma_start3A_206] : memref<204800x128xf32, #tpu.memory_space<hbm>> -> memref<64x128xf32, #tpu.memory_space<hbm>>
      tpu.enqueue_dma source(%arg11 : memref<64x128xf32, #tpu.memory_space<vmem>>) target(%dma_start3A_207 : memref<64x128xf32, #tpu.memory_space<hbm>>) target_semaphore(%arg31 : memref<!tpu.dma_semaphore, #tpu.memory_space<semaphore_mem>>)
      %add3A_208 = arith.constant 6 : i32
      %add3A_209 = arith.addi %add3A_55, %add3A_208 : i32
      %add3A_210 = arith.constant 6 : i32
      %add3A_211 = arith.addi %add3A_209, %add3A_210 : i32
      %ge3A_212 = arith.constant 10 : i32
      %ge3A_213 = arith.cmpi sge, %add3A_211, %ge3A_212 : i32
      %convert_element_type3A_214 = arith.extui %ge3A_213 : i1 to i32
      %cond3A_215 = arith.constant 0 : i32
      %cond3A_216 = arith.cmpi ne, %convert_element_type3A_214, %cond3A_215 : i32
      scf.if %cond3A_216 {
        %dma_wait3A_312 = arith.constant 0 : i32
        %dma_wait3A_313 = tpu.memref_slice %arg4[%mul3A_2, %dma_wait3A_312] : memref<204800x128xf32, #tpu.memory_space<hbm>> -> memref<64x128xf32, #tpu.memory_space<hbm>>
        %dma_wait3A_314 = arith.constant 0 : i32
        %dma_wait3A_315 = tpu.memref_slice %arg4[%mul3A_2, %dma_wait3A_314] : memref<204800x128xf32, #tpu.memory_space<hbm>> -> memref<64x128xf32, #tpu.memory_space<hbm>>
        tpu.wait_dma2 semaphore(%arg28 : memref<!tpu.dma_semaphore, #tpu.memory_space<semaphore_mem>>) src(%arg8 : memref<64x128xf32, #tpu.memory_space<vmem>>) dst(%dma_wait3A_315 : memref<64x128xf32, #tpu.memory_space<hbm>>)
      } else {
      }
      %lt3A_217 = arith.constant 100 : i32
      %lt3A_218 = arith.cmpi slt, %add3A_211, %lt3A_217 : i32
      %convert_element_type3A_219 = arith.extui %lt3A_218 : i1 to i32
      %cond3A_220 = arith.constant 0 : i32
      %cond3A_221 = arith.cmpi ne, %convert_element_type3A_219, %cond3A_220 : i32
      scf.if %cond3A_221 {
        %mul3A_312 = arith.constant 64 : i32
        %mul3A_313 = arith.muli %add3A_211, %mul3A_312 : i32
        %dma_start3A_314 = tpu.memref_slice %arg5[%mul3A_313] : memref<6400xi32, #tpu.memory_space<vmem>> -> memref<64xi32, #tpu.memory_space<vmem>>
        %dma_start3A_315 = arith.constant 0 : i32
        %dma_start3A_316 = arith.constant 0 : i32
        %dma_start3A_317 = tpu.memref_slice %arg3[%dma_start3A_315, %dma_start3A_316] : memref<100000x128xf32, #tpu.memory_space<hbm>> -> memref<100000x128xf32, #tpu.memory_space<hbm>>
        tpu.enqueue_indirect_dma source(%dma_start3A_317 : memref<100000x128xf32, #tpu.memory_space<hbm>>) target(%arg8 : memref<64x128xf32, #tpu.memory_space<vmem>>) offsets(%dma_start3A_314 : memref<64xi32, #tpu.memory_space<vmem>>) semaphore(%arg18 : memref<!tpu.dma_semaphore, #tpu.memory_space<semaphore_mem>>)
      } else {
      }
      %dma_wait3A_222 = arith.constant 0 : i32
      %dma_wait3A_223 = tpu.memref_slice %arg5[%dma_wait3A_222] : memref<6400xi32, #tpu.memory_space<vmem>> -> memref<64xi32, #tpu.memory_space<vmem>>
      %dma_wait3A_224 = arith.constant 0 : i32
      %dma_wait3A_225 = arith.constant 0 : i32
      %dma_wait3A_226 = tpu.memref_slice %arg3[%dma_wait3A_224, %dma_wait3A_225] : memref<100000x128xf32, #tpu.memory_space<hbm>> -> memref<100000x128xf32, #tpu.memory_space<hbm>>
      tpu.wait_indirect_dma semaphore(%arg22 : memref<!tpu.dma_semaphore, #tpu.memory_space<semaphore_mem>>) src(%dma_wait3A_226 : memref<100000x128xf32, #tpu.memory_space<hbm>>) dst(%arg12 : memref<64x128xf32, #tpu.memory_space<vmem>>)
      %mul3A_227 = arith.constant 64 : i32
      %mul3A_228 = arith.muli %add3A_209, %mul3A_227 : i32
      %add3A_229 = arith.addi %mul3A_2, %mul3A_228 : i32
      %dma_start3A_230 = arith.constant 0 : i32
      %dma_start3A_231 = tpu.memref_slice %arg4[%add3A_229, %dma_start3A_230] : memref<204800x128xf32, #tpu.memory_space<hbm>> -> memref<64x128xf32, #tpu.memory_space<hbm>>
      %dma_start3A_232 = arith.constant 0 : i32
      %dma_start3A_233 = tpu.memref_slice %arg4[%add3A_229, %dma_start3A_232] : memref<204800x128xf32, #tpu.memory_space<hbm>> -> memref<64x128xf32, #tpu.memory_space<hbm>>
      tpu.enqueue_dma source(%arg12 : memref<64x128xf32, #tpu.memory_space<vmem>>) target(%dma_start3A_233 : memref<64x128xf32, #tpu.memory_space<hbm>>) target_semaphore(%arg32 : memref<!tpu.dma_semaphore, #tpu.memory_space<semaphore_mem>>)
      %add3A_234 = arith.constant 7 : i32
      %add3A_235 = arith.addi %add3A_55, %add3A_234 : i32
      %add3A_236 = arith.constant 6 : i32
      %add3A_237 = arith.addi %add3A_235, %add3A_236 : i32
      %ge3A_238 = arith.constant 10 : i32
      %ge3A_239 = arith.cmpi sge, %add3A_237, %ge3A_238 : i32
      %convert_element_type3A_240 = arith.extui %ge3A_239 : i1 to i32
      %cond3A_241 = arith.constant 0 : i32
      %cond3A_242 = arith.cmpi ne, %convert_element_type3A_240, %cond3A_241 : i32
      scf.if %cond3A_242 {
        %dma_wait3A_312 = arith.constant 0 : i32
        %dma_wait3A_313 = tpu.memref_slice %arg4[%mul3A_2, %dma_wait3A_312] : memref<204800x128xf32, #tpu.memory_space<hbm>> -> memref<64x128xf32, #tpu.memory_space<hbm>>
        %dma_wait3A_314 = arith.constant 0 : i32
        %dma_wait3A_315 = tpu.memref_slice %arg4[%mul3A_2, %dma_wait3A_314] : memref<204800x128xf32, #tpu.memory_space<hbm>> -> memref<64x128xf32, #tpu.memory_space<hbm>>
        tpu.wait_dma2 semaphore(%arg29 : memref<!tpu.dma_semaphore, #tpu.memory_space<semaphore_mem>>) src(%arg9 : memref<64x128xf32, #tpu.memory_space<vmem>>) dst(%dma_wait3A_315 : memref<64x128xf32, #tpu.memory_space<hbm>>)
      } else {
      }
      %lt3A_243 = arith.constant 100 : i32
      %lt3A_244 = arith.cmpi slt, %add3A_237, %lt3A_243 : i32
      %convert_element_type3A_245 = arith.extui %lt3A_244 : i1 to i32
      %cond3A_246 = arith.constant 0 : i32
      %cond3A_247 = arith.cmpi ne, %convert_element_type3A_245, %cond3A_246 : i32
      scf.if %cond3A_247 {
        %mul3A_312 = arith.constant 64 : i32
        %mul3A_313 = arith.muli %add3A_237, %mul3A_312 : i32
        %dma_start3A_314 = tpu.memref_slice %arg5[%mul3A_313] : memref<6400xi32, #tpu.memory_space<vmem>> -> memref<64xi32, #tpu.memory_space<vmem>>
        %dma_start3A_315 = arith.constant 0 : i32
        %dma_start3A_316 = arith.constant 0 : i32
        %dma_start3A_317 = tpu.memref_slice %arg3[%dma_start3A_315, %dma_start3A_316] : memref<100000x128xf32, #tpu.memory_space<hbm>> -> memref<100000x128xf32, #tpu.memory_space<hbm>>
        tpu.enqueue_indirect_dma source(%dma_start3A_317 : memref<100000x128xf32, #tpu.memory_space<hbm>>) target(%arg9 : memref<64x128xf32, #tpu.memory_space<vmem>>) offsets(%dma_start3A_314 : memref<64xi32, #tpu.memory_space<vmem>>) semaphore(%arg19 : memref<!tpu.dma_semaphore, #tpu.memory_space<semaphore_mem>>)
      } else {
      }
      %dma_wait3A_248 = arith.constant 0 : i32
      %dma_wait3A_249 = tpu.memref_slice %arg5[%dma_wait3A_248] : memref<6400xi32, #tpu.memory_space<vmem>> -> memref<64xi32, #tpu.memory_space<vmem>>
      %dma_wait3A_250 = arith.constant 0 : i32
      %dma_wait3A_251 = arith.constant 0 : i32
      %dma_wait3A_252 = tpu.memref_slice %arg3[%dma_wait3A_250, %dma_wait3A_251] : memref<100000x128xf32, #tpu.memory_space<hbm>> -> memref<100000x128xf32, #tpu.memory_space<hbm>>
      tpu.wait_indirect_dma semaphore(%arg23 : memref<!tpu.dma_semaphore, #tpu.memory_space<semaphore_mem>>) src(%dma_wait3A_252 : memref<100000x128xf32, #tpu.memory_space<hbm>>) dst(%arg13 : memref<64x128xf32, #tpu.memory_space<vmem>>)
      %mul3A_253 = arith.constant 64 : i32
      %mul3A_254 = arith.muli %add3A_235, %mul3A_253 : i32
      %add3A_255 = arith.addi %mul3A_2, %mul3A_254 : i32
      %dma_start3A_256 = arith.constant 0 : i32
      %dma_start3A_257 = tpu.memref_slice %arg4[%add3A_255, %dma_start3A_256] : memref<204800x128xf32, #tpu.memory_space<hbm>> -> memref<64x128xf32, #tpu.memory_space<hbm>>
      %dma_start3A_258 = arith.constant 0 : i32
      %dma_start3A_259 = tpu.memref_slice %arg4[%add3A_255, %dma_start3A_258] : memref<204800x128xf32, #tpu.memory_space<hbm>> -> memref<64x128xf32, #tpu.memory_space<hbm>>
      tpu.enqueue_dma source(%arg13 : memref<64x128xf32, #tpu.memory_space<vmem>>) target(%dma_start3A_259 : memref<64x128xf32, #tpu.memory_space<hbm>>) target_semaphore(%arg33 : memref<!tpu.dma_semaphore, #tpu.memory_space<semaphore_mem>>)
      %add3A_260 = arith.constant 8 : i32
      %add3A_261 = arith.addi %add3A_55, %add3A_260 : i32
      %add3A_262 = arith.constant 6 : i32
      %add3A_263 = arith.addi %add3A_261, %add3A_262 : i32
      %ge3A_264 = arith.constant 10 : i32
      %ge3A_265 = arith.cmpi sge, %add3A_263, %ge3A_264 : i32
      %convert_element_type3A_266 = arith.extui %ge3A_265 : i1 to i32
      %cond3A_267 = arith.constant 0 : i32
      %cond3A_268 = arith.cmpi ne, %convert_element_type3A_266, %cond3A_267 : i32
      scf.if %cond3A_268 {
        %dma_wait3A_312 = arith.constant 0 : i32
        %dma_wait3A_313 = tpu.memref_slice %arg4[%mul3A_2, %dma_wait3A_312] : memref<204800x128xf32, #tpu.memory_space<hbm>> -> memref<64x128xf32, #tpu.memory_space<hbm>>
        %dma_wait3A_314 = arith.constant 0 : i32
        %dma_wait3A_315 = tpu.memref_slice %arg4[%mul3A_2, %dma_wait3A_314] : memref<204800x128xf32, #tpu.memory_space<hbm>> -> memref<64x128xf32, #tpu.memory_space<hbm>>
        tpu.wait_dma2 semaphore(%arg30 : memref<!tpu.dma_semaphore, #tpu.memory_space<semaphore_mem>>) src(%arg10 : memref<64x128xf32, #tpu.memory_space<vmem>>) dst(%dma_wait3A_315 : memref<64x128xf32, #tpu.memory_space<hbm>>)
      } else {
      }
      %lt3A_269 = arith.constant 100 : i32
      %lt3A_270 = arith.cmpi slt, %add3A_263, %lt3A_269 : i32
      %convert_element_type3A_271 = arith.extui %lt3A_270 : i1 to i32
      %cond3A_272 = arith.constant 0 : i32
      %cond3A_273 = arith.cmpi ne, %convert_element_type3A_271, %cond3A_272 : i32
      scf.if %cond3A_273 {
        %mul3A_312 = arith.constant 64 : i32
        %mul3A_313 = arith.muli %add3A_263, %mul3A_312 : i32
        %dma_start3A_314 = tpu.memref_slice %arg5[%mul3A_313] : memref<6400xi32, #tpu.memory_space<vmem>> -> memref<64xi32, #tpu.memory_space<vmem>>
        %dma_start3A_315 = arith.constant 0 : i32
        %dma_start3A_316 = arith.constant 0 : i32
        %dma_start3A_317 = tpu.memref_slice %arg3[%dma_start3A_315, %dma_start3A_316] : memref<100000x128xf32, #tpu.memory_space<hbm>> -> memref<100000x128xf32, #tpu.memory_space<hbm>>
        tpu.enqueue_indirect_dma source(%dma_start3A_317 : memref<100000x128xf32, #tpu.memory_space<hbm>>) target(%arg10 : memref<64x128xf32, #tpu.memory_space<vmem>>) offsets(%dma_start3A_314 : memref<64xi32, #tpu.memory_space<vmem>>) semaphore(%arg20 : memref<!tpu.dma_semaphore, #tpu.memory_space<semaphore_mem>>)
      } else {
      }
      %dma_wait3A_274 = arith.constant 0 : i32
      %dma_wait3A_275 = tpu.memref_slice %arg5[%dma_wait3A_274] : memref<6400xi32, #tpu.memory_space<vmem>> -> memref<64xi32, #tpu.memory_space<vmem>>
      %dma_wait3A_276 = arith.constant 0 : i32
      %dma_wait3A_277 = arith.constant 0 : i32
      %dma_wait3A_278 = tpu.memref_slice %arg3[%dma_wait3A_276, %dma_wait3A_277] : memref<100000x128xf32, #tpu.memory_space<hbm>> -> memref<100000x128xf32, #tpu.memory_space<hbm>>
      tpu.wait_indirect_dma semaphore(%arg24 : memref<!tpu.dma_semaphore, #tpu.memory_space<semaphore_mem>>) src(%dma_wait3A_278 : memref<100000x128xf32, #tpu.memory_space<hbm>>) dst(%arg14 : memref<64x128xf32, #tpu.memory_space<vmem>>)
      %mul3A_279 = arith.constant 64 : i32
      %mul3A_280 = arith.muli %add3A_261, %mul3A_279 : i32
      %add3A_281 = arith.addi %mul3A_2, %mul3A_280 : i32
      %dma_start3A_282 = arith.constant 0 : i32
      %dma_start3A_283 = tpu.memref_slice %arg4[%add3A_281, %dma_start3A_282] : memref<204800x128xf32, #tpu.memory_space<hbm>> -> memref<64x128xf32, #tpu.memory_space<hbm>>
      %dma_start3A_284 = arith.constant 0 : i32
      %dma_start3A_285 = tpu.memref_slice %arg4[%add3A_281, %dma_start3A_284] : memref<204800x128xf32, #tpu.memory_space<hbm>> -> memref<64x128xf32, #tpu.memory_space<hbm>>
      tpu.enqueue_dma source(%arg14 : memref<64x128xf32, #tpu.memory_space<vmem>>) target(%dma_start3A_285 : memref<64x128xf32, #tpu.memory_space<hbm>>) target_semaphore(%arg34 : memref<!tpu.dma_semaphore, #tpu.memory_space<semaphore_mem>>)
      %add3A_286 = arith.constant 9 : i32
      %add3A_287 = arith.addi %add3A_55, %add3A_286 : i32
      %add3A_288 = arith.constant 6 : i32
      %add3A_289 = arith.addi %add3A_287, %add3A_288 : i32
      %ge3A_290 = arith.constant 10 : i32
      %ge3A_291 = arith.cmpi sge, %add3A_289, %ge3A_290 : i32
      %convert_element_type3A_292 = arith.extui %ge3A_291 : i1 to i32
      %cond3A_293 = arith.constant 0 : i32
      %cond3A_294 = arith.cmpi ne, %convert_element_type3A_292, %cond3A_293 : i32
      scf.if %cond3A_294 {
        %dma_wait3A_312 = arith.constant 0 : i32
        %dma_wait3A_313 = tpu.memref_slice %arg4[%mul3A_2, %dma_wait3A_312] : memref<204800x128xf32, #tpu.memory_space<hbm>> -> memref<64x128xf32, #tpu.memory_space<hbm>>
        %dma_wait3A_314 = arith.constant 0 : i32
        %dma_wait3A_315 = tpu.memref_slice %arg4[%mul3A_2, %dma_wait3A_314] : memref<204800x128xf32, #tpu.memory_space<hbm>> -> memref<64x128xf32, #tpu.memory_space<hbm>>
        tpu.wait_dma2 semaphore(%arg31 : memref<!tpu.dma_semaphore, #tpu.memory_space<semaphore_mem>>) src(%arg11 : memref<64x128xf32, #tpu.memory_space<vmem>>) dst(%dma_wait3A_315 : memref<64x128xf32, #tpu.memory_space<hbm>>)
      } else {
      }
      %lt3A_295 = arith.constant 100 : i32
      %lt3A_296 = arith.cmpi slt, %add3A_289, %lt3A_295 : i32
      %convert_element_type3A_297 = arith.extui %lt3A_296 : i1 to i32
      %cond3A_298 = arith.constant 0 : i32
      %cond3A_299 = arith.cmpi ne, %convert_element_type3A_297, %cond3A_298 : i32
      scf.if %cond3A_299 {
        %mul3A_312 = arith.constant 64 : i32
        %mul3A_313 = arith.muli %add3A_289, %mul3A_312 : i32
        %dma_start3A_314 = tpu.memref_slice %arg5[%mul3A_313] : memref<6400xi32, #tpu.memory_space<vmem>> -> memref<64xi32, #tpu.memory_space<vmem>>
        %dma_start3A_315 = arith.constant 0 : i32
        %dma_start3A_316 = arith.constant 0 : i32
        %dma_start3A_317 = tpu.memref_slice %arg3[%dma_start3A_315, %dma_start3A_316] : memref<100000x128xf32, #tpu.memory_space<hbm>> -> memref<100000x128xf32, #tpu.memory_space<hbm>>
        tpu.enqueue_indirect_dma source(%dma_start3A_317 : memref<100000x128xf32, #tpu.memory_space<hbm>>) target(%arg11 : memref<64x128xf32, #tpu.memory_space<vmem>>) offsets(%dma_start3A_314 : memref<64xi32, #tpu.memory_space<vmem>>) semaphore(%arg21 : memref<!tpu.dma_semaphore, #tpu.memory_space<semaphore_mem>>)
      } else {
      }
      %dma_wait3A_300 = arith.constant 0 : i32
      %dma_wait3A_301 = tpu.memref_slice %arg5[%dma_wait3A_300] : memref<6400xi32, #tpu.memory_space<vmem>> -> memref<64xi32, #tpu.memory_space<vmem>>
      %dma_wait3A_302 = arith.constant 0 : i32
      %dma_wait3A_303 = arith.constant 0 : i32
      %dma_wait3A_304 = tpu.memref_slice %arg3[%dma_wait3A_302, %dma_wait3A_303] : memref<100000x128xf32, #tpu.memory_space<hbm>> -> memref<100000x128xf32, #tpu.memory_space<hbm>>
      tpu.wait_indirect_dma semaphore(%arg25 : memref<!tpu.dma_semaphore, #tpu.memory_space<semaphore_mem>>) src(%dma_wait3A_304 : memref<100000x128xf32, #tpu.memory_space<hbm>>) dst(%arg15 : memref<64x128xf32, #tpu.memory_space<vmem>>)
      %mul3A_305 = arith.constant 64 : i32
      %mul3A_306 = arith.muli %add3A_287, %mul3A_305 : i32
      %add3A_307 = arith.addi %mul3A_2, %mul3A_306 : i32
      %dma_start3A_308 = arith.constant 0 : i32
      %dma_start3A_309 = tpu.memref_slice %arg4[%add3A_307, %dma_start3A_308] : memref<204800x128xf32, #tpu.memory_space<hbm>> -> memref<64x128xf32, #tpu.memory_space<hbm>>
      %dma_start3A_310 = arith.constant 0 : i32
      %dma_start3A_311 = tpu.memref_slice %arg4[%add3A_307, %dma_start3A_310] : memref<204800x128xf32, #tpu.memory_space<hbm>> -> memref<64x128xf32, #tpu.memory_space<hbm>>
      tpu.enqueue_dma source(%arg15 : memref<64x128xf32, #tpu.memory_space<vmem>>) target(%dma_start3A_311 : memref<64x128xf32, #tpu.memory_space<hbm>>) target_semaphore(%arg35 : memref<!tpu.dma_semaphore, #tpu.memory_space<semaphore_mem>>)
    }
    %scan3A_35 = arith.constant 10 : i32
    %dma_wait3A = arith.constant 0 : i32
    %dma_wait3A_36 = tpu.memref_slice %arg4[%mul3A_2, %dma_wait3A] : memref<204800x128xf32, #tpu.memory_space<hbm>> -> memref<64x128xf32, #tpu.memory_space<hbm>>
    %dma_wait3A_37 = arith.constant 0 : i32
    %dma_wait3A_38 = tpu.memref_slice %arg4[%mul3A_2, %dma_wait3A_37] : memref<204800x128xf32, #tpu.memory_space<hbm>> -> memref<64x128xf32, #tpu.memory_space<hbm>>
    tpu.wait_dma2 semaphore(%arg32 : memref<!tpu.dma_semaphore, #tpu.memory_space<semaphore_mem>>) src(%arg12 : memref<64x128xf32, #tpu.memory_space<vmem>>) dst(%dma_wait3A_38 : memref<64x128xf32, #tpu.memory_space<hbm>>)
    %dma_wait3A_39 = arith.constant 0 : i32
    %dma_wait3A_40 = tpu.memref_slice %arg4[%mul3A_2, %dma_wait3A_39] : memref<204800x128xf32, #tpu.memory_space<hbm>> -> memref<64x128xf32, #tpu.memory_space<hbm>>
    %dma_wait3A_41 = arith.constant 0 : i32
    %dma_wait3A_42 = tpu.memref_slice %arg4[%mul3A_2, %dma_wait3A_41] : memref<204800x128xf32, #tpu.memory_space<hbm>> -> memref<64x128xf32, #tpu.memory_space<hbm>>
    tpu.wait_dma2 semaphore(%arg33 : memref<!tpu.dma_semaphore, #tpu.memory_space<semaphore_mem>>) src(%arg13 : memref<64x128xf32, #tpu.memory_space<vmem>>) dst(%dma_wait3A_42 : memref<64x128xf32, #tpu.memory_space<hbm>>)
    %dma_wait3A_43 = arith.constant 0 : i32
    %dma_wait3A_44 = tpu.memref_slice %arg4[%mul3A_2, %dma_wait3A_43] : memref<204800x128xf32, #tpu.memory_space<hbm>> -> memref<64x128xf32, #tpu.memory_space<hbm>>
    %dma_wait3A_45 = arith.constant 0 : i32
    %dma_wait3A_46 = tpu.memref_slice %arg4[%mul3A_2, %dma_wait3A_45] : memref<204800x128xf32, #tpu.memory_space<hbm>> -> memref<64x128xf32, #tpu.memory_space<hbm>>
    tpu.wait_dma2 semaphore(%arg34 : memref<!tpu.dma_semaphore, #tpu.memory_space<semaphore_mem>>) src(%arg14 : memref<64x128xf32, #tpu.memory_space<vmem>>) dst(%dma_wait3A_46 : memref<64x128xf32, #tpu.memory_space<hbm>>)
    %dma_wait3A_47 = arith.constant 0 : i32
    %dma_wait3A_48 = tpu.memref_slice %arg4[%mul3A_2, %dma_wait3A_47] : memref<204800x128xf32, #tpu.memory_space<hbm>> -> memref<64x128xf32, #tpu.memory_space<hbm>>
    %dma_wait3A_49 = arith.constant 0 : i32
    %dma_wait3A_50 = tpu.memref_slice %arg4[%mul3A_2, %dma_wait3A_49] : memref<204800x128xf32, #tpu.memory_space<hbm>> -> memref<64x128xf32, #tpu.memory_space<hbm>>
    tpu.wait_dma2 semaphore(%arg35 : memref<!tpu.dma_semaphore, #tpu.memory_space<semaphore_mem>>) src(%arg15 : memref<64x128xf32, #tpu.memory_space<vmem>>) dst(%dma_wait3A_50 : memref<64x128xf32, #tpu.memory_space<hbm>>)
    return
  }
}

</mosaic_0001>

<sc_bundles>
// kernel: kernel.3.cloned.1.call-start
scs
__scs_entry_jumppad:
0x0: {  	(pc) =	sbr.rel $0x88, $3  }
0x1: {  	(tag) =	ssettag $0x0;
	lr =	simm.s32 $0x1  }
0x2: {  	[smem:$0x3F9F] =	sst lr;
	_ =	strace $0xD0000000  }
0x3: {  	_ = 	snop  }
0x4: {  	_ = 	snop  }
0x5: {  	_ = 	snop  }
0x6: {  	_ = 	snop  }
0x7: {  	_ = 	snop  }
__scs_overlays_trampoline_lowered:
0x8: {  	[smem:$0x3FAE] =	sst s0  }
0x9: {  	[smem:$0x3FAF] =	sst s1  }
0xa: {  	[smem:$0x3FB0] =	sst s2  }
0xb: {  	[smem:$0x3FB1] =	sst s3  }
0xc: {  	[smem:$0x3FB2] =	sst s4  }
0xd: {  	[smem:$0x3FB3] =	sst s5  }
0xe: {  	[smem:$0x3FB4] =	sst s6  }
0xf: {  	[smem:$0x3FB5] =	sst s7  }
0x10: {  	[smem:$0x3FB6] =	sst s8  }
0x11: {  	[smem:$0x3FB7] =	sst s9;
	s0 =	simm.s32 @!p0 $0x0  }
0x12: {  	s1 =	sld [smem:$0x3F9D];
	s0 =	simm.s32 @p0 $0x1  }
0x13: {  	[smem:$0x3FB8] =	sst s0;
	s0 =	simm.s32 @!p1 $0x0  }
0x14: {  	s2 =	sld [smem:$0x3F9C];
	s0 =	simm.s32 @p1 $0x1  }
0x15: {  	[smem:$0x3FB9] =	sst s0;
	s0 =	simm.s32 @!p2 $0x0  }
0x16: {  	s3 =	sld [smem:$0x3FDB];
	s0 =	simm.s32 @p2 $0x1  }
0x17: {  	s4 =	simm.s32 $0x1BF5;
	[smem:$0x3FBB] =	sst s0  }
0x18: {  	s0 =	sld [smem:$0x3F9E];
	_ =	swait.ge [sflag:s4], $0x0  }
0x19: {  	s7 =	sld [smem:$0x3F9F]  }
0x1a: {  	s8 =	sadd.s32 $0xFFFFE003, lr  }
0x1b: {  	s9 =	sadd.s32 $0xFFFFFEF7, lr;
	s5 =	simm.s32 $0xFFFFFFFF;
	p2 =	slt.u32 s8, $0xFFFFF086  }
0x1c: {  	p1 =	slt.u32 s9, $0xF7A;
	s5 =	simm.s32 @!p2 $0x0  }
0x1d: {  	s5 =	simm.s32 @p1 $0x1;
	p0 =	seq.s32 s7, s2  }
0x1e: {  	s7 =	smul.u32 @!p0 $0xF7A, s2;
	p2 =	seq.s32 @!p0 s5, $0x0  }
0x1f: {  	s9 =	smul.u32 $0xF7A, s1;
	s8 =	simm.s32 @!p0 $0x1BF5;
	p2 =	por !p2, p0  }
0x20: {  	[sflag:s8] =	ssyncset.s32 @!p0 $0xFFFFF086;
	s6 =	sadd.s32 @!p0 s3, s7;
	s7 =	simm.s32 @!p0 $0x108  }
0x21: {  	s3 =	sadd.s32 s3, s9;
	s6 =	sadd.s32 @!p0 $0x88, s6;
	s7 =	simm.s32 @p2 $0x1082  }
0x22: {  	[simem:s7], [sflag:s8] =	dma.local @!p0 [hbm:s6], $0xF7A  }
0x23: {  	s9 =	sor.u32 $0xD0000000, s2;
	s6 =	simm.s32 $0x108;
	_ =	swait.ge @!p0 [sflag:s8], $0x0  }
0x24: {  	s3 =	sadd.s32 $0x88, s3;
	s6 =	simm.s32 @!p1 $0x1082;
	[sflag:s4] =	ssyncset.s32 $0xFFFFF086  }
0x25: {  	[simem:s6], [sflag:s4] =	dma.local [hbm:s3], $0xF7A  }
0x26: {  	[smem:$0x3F9F] =	sst s1;
	(tag) =	ssettag s2;
	_ =	strace s9  }
0x27: {  	s1 =	sld [smem:$0x3FAF]  }
0x28: {  	s2 =	sld [smem:$0x3FB0]  }
0x29: {  	s4 =	sld [smem:$0x3FB2]  }
0x2a: {  	p0 =	seq.s32 s5, $0x0;
	s5 =	sld [smem:$0x3FB3]  }
0x2b: {  	s6 =	sld [smem:$0x3FB4]  }
0x2c: {  	s7 =	sld [smem:$0x3FB5]  }
0x2d: {  	s3 =	simm.s32 $0x108;
	s8 =	sld [smem:$0x3FB6]  }
0x2e: {  	s3 =	simm.s32 @!p0 $0x1082;
	s9 =	sld [smem:$0x3FB7]  }
0x2f: {  	lr =	sadd.s32 s0, s3;
	s0 =	sld [smem:$0x3FAE]  }
0x30: {  	s3 =	sld [smem:$0x3FB1]  }
0x31: {  	[smem:$0x3FBA] =	sst s10  }
0x32: {  	s10 =	sld [smem:$0x3FB8];
	_ =	sdelay $0x3  }
0x33: {  	p0 =	seq.s32 s10, $0x1;
	s10 =	sld [smem:$0x3FBA];
	_ =	sdelay $0x3  }
0x34: {  	[smem:$0x3FBA] =	sst s10  }
0x35: {  	s10 =	sld [smem:$0x3FB9];
	_ =	sdelay $0x3  }
0x36: {  	p1 =	seq.s32 s10, $0x1;
	s10 =	sld [smem:$0x3FBA];
	_ =	sdelay $0x3  }
0x37: {  	[smem:$0x3FBA] =	sst s10  }
0x38: {  	s10 =	sld [smem:$0x3FBB]  }
0x39: {  	_ = 	snop;
	(pc) =	sbr.ind lr, $3  }
0x3a: {  	_ = 	snop  }
0x3b: {  	_ = 	snop  }
0x3c: {  	p2 =	seq.s32 s10, $0x1;
	s10 =	sld [smem:$0x3FBA]  }
0x3d: {  	_ =	shalt  }
0x3e: {  	_ =	shalt  }
0x3f: {  	_ =	shalt  }
0x40: {  	_ =	shalt  }
0x41: {  	_ =	shalt  }
0x42: {  	_ =	shalt  }
0x43: {  	_ =	shalt  }
0x44: {  	_ =	shalt  }
0x45: {  	_ =	shalt  }
0x46: {  	_ =	shalt  }
0x47: {  	_ =	shalt  }
0x48: {  	_ =	shalt  }
0x49: {  	_ =	shalt  }
0x4a: {  	_ =	shalt  }
0x4b: {  	_ =	shalt  }
0x4c: {  	_ =	shalt  }
0x4d: {  	_ =	shalt  }
0x4e: {  	_ =	shalt  }
0x4f: {  	_ =	shalt  }
0x50: {  	_ =	shalt  }
0x51: {  	_ =	shalt  }
0x52: {  	_ =	shalt  }
0x53: {  	_ =	shalt  }
0x54: {  	_ =	shalt  }
0x55: {  	_ =	shalt  }
0x56: {  	_ =	shalt  }
0x57: {  	_ =	shalt  }
0x58: {  	_ =	shalt  }
0x59: {  	_ =	shalt  }
0x5a: {  	_ =	shalt  }
0x5b: {  	_ =	shalt  }
0x5c: {  	_ =	shalt  }
0x5d: {  	_ =	shalt  }
0x5e: {  	_ =	shalt  }
0x5f: {  	_ =	shalt  }
0x60: {  	_ =	shalt  }
0x61: {  	_ =	shalt  }
0x62: {  	_ =	shalt  }
0x63: {  	_ =	shalt  }
0x64: {  	_ =	shalt  }
0x65: {  	_ =	shalt  }
0x66: {  	_ =	shalt  }
0x67: {  	_ =	shalt  }
0x68: {  	_ =	shalt  }
0x69: {  	_ =	shalt  }
0x6a: {  	_ =	shalt  }
0x6b: {  	_ =	shalt  }
0x6c: {  	_ =	shalt  }
0x6d: {  	_ =	shalt  }
0x6e: {  	_ =	shalt  }
0x6f: {  	_ =	shalt  }
0x70: {  	_ =	shalt  }
0x71: {  	_ =	shalt  }
0x72: {  	_ =	shalt  }
0x73: {  	_ =	shalt  }
0x74: {  	_ =	shalt  }
0x75: {  	_ =	shalt  }
0x76: {  	_ =	shalt  }
0x77: {  	_ =	shalt  }
0x78: {  	_ =	shalt  }
0x79: {  	_ =	shalt  }
0x7a: {  	_ =	shalt  }
0x7b: {  	_ =	shalt  }
0x7c: {  	_ =	shalt  }
0x7d: {  	_ =	shalt  }
0x7e: {  	_ =	shalt  }
0x7f: {  	_ =	shalt  }
0x80: {  	_ =	shalt  }
0x81: {  	_ =	shalt  }
0x82: {  	_ =	shalt  }
0x83: {  	_ =	shalt  }
0x84: {  	_ =	shalt  }
0x85: {  	_ =	shalt  }
0x86: {  	_ =	shalt  }
0x87: {  	_ =	shalt  }
.Lfunc_end0:
.L_simem_size_0:
called_computation_lowered:
.L_overlay_start_0:
0x88: {  	s2 =	sld [smem:$0x3FD9]  }
0x89: {  	s3 =	sld [smem:$0x3FFE];
	_ =	sdelay $0x1  }
0x8a: {  	s1 =	srdreg.scid  }
0x8b: {  	s0 =	sand.u32 $0x1, s1  }
0x8c: {  	s17 =	sshll.u32 s0, $0xA;
	s2 =	sadd.s32 s3, s2  }
0x8d: {  	s2 =	sadd.s32 s2, s17  }
0x8e: {  	[smem:$0x3FC6] =	sst s2  }
0x8f: {  	_ = 	snop  }
0x90: {  	s2 =	sld [smem:$0x3FC8]  }
0x91: {  	s18 =	sld [smem:$0x3FD0];
	(tm) =	ssettm $0x1  }
0x92: {  	s4 =	sld [smem:$0x3FFB];
	_ =	sdelay $0x3  }
0x93: {  	_ =	strace s4  }
0x94: {  	s4 =	sld [smem:$0x3FFC];
	_ =	sdelay $0x3  }
0x95: {  	_ =	strace s4  }
0x96: {  	s4 =	sld [smem:$0x3FFD];
	_ =	sdelay $0x3  }
0x97: {  	_ =	strace s4  }
0x98: {  	_ =	strace $0x8FFFFFFF  }
0x99: {  	s19 =	sld [smem:$0x3FDB];
	_ =	sdelay $0x1  }
0x9a: {  	s5 =	simm.s32 $_scs_section_size  }
0x9b: {  	s6 =	simm.s32 $_size__tile_overlayer_lowered;
	s7 =	simm.s32 $_tile_overlayer_lowered  }
0x9c: {  	s22 =	simm.s32 $0x1BFF;
	s21 =	sshll.u32 s7, $0x1;
	s4 =	sadd.s32 s5, s19  }
0x9d: {  	s8 =	simm.s32 $0x0;
	s20 =	sshll.u32 s6, $0x1;
	s6 =	sadd.s32 s21, s4  }
0x9e: {  	[timem:s8], [sflag:s22] =	dma.local [hbm:s6], s20  }
0x9f: {  	_ =	swait.ge [sflag:s22], s20  }
0xa0: {  	s5 =	ssub.s32 $0x0, s20;
	[sflag:s22] =	ssyncset.done $0x0  }
0xa1: {  	[sflag:s22] =	ssyncadd.s32 s5;
	_ =	sdelay $0x1  }
0xa2: {  	s23 =	simm.s32 $0x1B8B  }
0xa3: {  	_ =	swait.ge [sflag:s23], $0x1  }
0xa4: {  	[sflag:s23] =	ssyncset.done $0x0  }
0xa5: {  	s25 =	simm.s32 $0x1B8E;
	s24 =	sld [smem:$0x3FFE];
	[sflag:s23] =	ssyncadd.s32 $0xFFFFFFFF  }
0xa6: {  	s26 =	simm.s32 $execute0_lowered;
	[smem:$0x3FD2] =	sst s25  }
0xa7: {  	s6 =	sshll.u32 s26, $0x1;
	_ =	strace $0x80000046;
	[dreg:$0x1] =	wrdreg $0xFFFFFFFF  }
0xa8: {  	s28 =	simm.s32 $_size_execute0_lowered;
	s4 =	sadd.s32 s4, s6;
	[dreg:$0x0] =	wrdreg $0x0  }
0xa9: {  	s6 =	sshll.u32 s28, $0x1;
	[dreg:$0x2] =	wrdreg s4  }
0xaa: {  	[dreg:$0x3] =	wrdreg s6  }
0xab: {  	[dreg:$0x4] =	wrdreg $0xC0  }
0xac: {  	_ =	task [dreg:s8], $0x5FFFF  }
0xad: {  	[dreg:$0x1] =	wrdreg $0xFFFFFFFF  }
0xae: {  	[dreg:$0x0] =	wrdreg $0x60  }
0xaf: {  	[dreg:$0x2] =	wrdreg s24  }
0xb0: {  	[dreg:$0x3] =	wrdreg s2  }
0xb1: {  	[dreg:$0x4] =	wrdreg s18  }
0xb2: {  	[dreg:$0x5] =	wrdreg $0x9  }
0xb3: {  	_ =	task.clear_ibuf [dreg:s8], $0x6FFFF;
	_ =	strace $0x90000046  }
0xb4: {  	s29 =	simm.s32 $0x9;
	_ =	strace $0x80000048  }
0xb5: {  	_ =	swait.ge [sflag:s29], $0x1  }
0xb6: {  	[sflag:s29] =	ssyncadd.s32 $0xFFFFFFFF  }
0xb7: {  	_ =	strace $0x90000048  }
0xb8: {  	_ =	sfence  }
0xb9: {  	s30 =	sld [smem:$0x0];
	_ =	sdelay $0x2  }
0xba: {  	s31 =	sshll.u32 s1, $0xD;
	s1 =	sshrl.u32 s1, $0x2  }
0xbb: {  	s3 =	sand.u32 $0x4000, s31;
	s1 =	sadd.s32 s1, s30  }
0xbc: {  	s0 =	sor.u32 s3, s0;
	s1 =	sshll.u32 s1, $0x11  }
0xbd: {  	s0 =	sor.u32 s1, s0  }
0xbe: {  	s0 =	sadd.s32 $0x8F2B, s0  }
0xbf: {  	[sflag:s0] =	ssyncadd.remote.s32 $0x1  }
0xc0: {  	_ =	sfence.sel $0xFFFF  }
0xc1: {  	[dreg:$0x0] =	wrdreg $0xFFFFFFFF;
	(pc) =	sbr.abs _section_cstart, $3  }
0xc2: {  	[dreg:$0x1] =	wrdreg $0xFFFFFFFF  }
0xc3: {  	_ =	task.clear_ibuf [dreg:s8], $0x2FFFF;
	_ =	strace $0x9FFFFFFF  }
0xc4: {  	(tm) =	ssettm $0x7FFFFFFF  }
0xc5: {  	_ =	shalt  }
tec
execute0_lowered:
.L_overlay_start_1:
0x0: {  	(tag) =	ssettag $0x1  }
0x1: {  	s0 =	srdreg.scid;
	s1 =	rddreg [dreg:$0x0]  }
0x2: {  	s6 =	stileid.u32;
	s2 =	rddreg [dreg:$0x1];
	s4 =	simm.s32 $0x0  }
0x3: {  	s28 =	simm.s32 $0xB;
	s29 =	simm.s32 $0x5;
	s30 =	simm.s32 $0xC  }
0x4: {  	s31 =	simm.s32 $0x6;
	s11 =	simm.s32 $0xE;
	s5 =	smul.u32 $0x32000, s6  }
0x5: {  	s0 =	sand.u32 $0x1, s0;
	s3 =	sshll.u32 s6, $0x1;
	s6 =	smul.u32 $0x190000, s6  }
0x6: {  	s13 =	simm.s32 $0x8;
	s15 =	simm.s32 $0xF;
	s7 =	smul.u32 $0xC8000, s0  }
0x7: {  	s3 =	sor.u32 s0, s3;
	s8 =	ssub.s32 $0x2, s0;
	s0 =	smul.u32 $0x19000, s0  }
0x8: {  	s9 =	simm.s32 $0x0;
	[smem:$0x7FF] =	sst s4;
	s3 =	smul.u32 $0x1900, s3  }
0x9: {  	_ =	strace $0x80000047;
	s17 =	sshrl.u32 s8, $0x1;
	s6 =	sadd.s32 s7, s6  }
0xa: {  	s0 =	sadd.s32 s0, s5;
	s5 =	simm.s32 $0x10;
	s3 =	sshrl.u32 s3, $0x3  }
0xb: {  	s18 =	sadd.s32 $0x12000, s6;
	[dreg:$0x4] =	wrdreg s0;
	s20 =	sadd.s32 $0x10000, s6  }
0xc: {  	s22 =	sadd.s32 $0xE000, s6;
	s24 =	sadd.s32 $0xC000, s6;
	s0 =	simm.s32 $0x7  }
0xd: {  	s6 =	simm.s32 $0xA;
	s1 =	sadd.s32 s3, s1;
	s19 =	sshrl.u32 s18, $0x3  }
0xe: {  	s3 =	ssub.s32 s8, s17;
	s21 =	sshrl.u32 s20, $0x3;
	[dreg:$0x5] =	wrdreg s19  }
0xf: {  	s23 =	sshrl.u32 s22, $0x3;
	s25 =	sshrl.u32 s24, $0x3;
	[dreg:$0x6] =	wrdreg s21  }
0x10: {  	s8 =	simm.s32 $0x40;
	s17 =	simm.s32 $0x9;
	[dreg:$0x7] =	wrdreg s23  }
0x11: {  	s24 =	simm.s32 $0x11900;
	s1 =	sadd.s32 $0x400, s1;
	[dreg:$0x8] =	wrdreg s25  }
0x12: {  	s26 =	smax.u32 s3, $0x1;
	s23 =	simm.s32 $0x13900;
	[dreg:$0x9] =	wrdreg s1  }
0x13: {  	[dreg:$0xa] =	wrdreg s26;
	s26 =	simm.s32 $0x4;
	s1 =	simm.s32 $0xD  }
.LBB2_1:
0x14: {  	[dreg:$0xb] =	wrdreg s9  }
0x15: {  	s3 =	rddreg [dreg:$0x9];
	s16 =	simm.s32 $0x15  }
0x16: {  	[tilespmem:s4], [sflag:$0x15] =	stream.linear.gather [hbm4b:s3+s4], $0x1900, $0x38;
	[tilespmem:$0x15900] =	vst v63  }
0x17: {  	_ =	swait.ge [sflag:s16], $0x1900  }
0x18: {  	[sflag:s16] =	ssyncset.done $0x0  }
0x19: {  	s9 =	simm.s32 $0x1900;
	[sflag:s16] =	ssyncadd.s32 $0xFFFFE700  }
0x1a: {  	[tilespmem:s9], [sflag:$0x1] =	stream.indirect.gather [hbm4b:s2+s8], $0x80, s4, s8, $0xb8;
	[tilespmem:$0x15900] =	vst v63  }
0x1b: {  	s10 =	simm.s32 $0x3900  }
0x1c: {  	[tilespmem:s10], [sflag:$0x2] =	stream.indirect.gather [hbm4b:s2+s8], $0x80, s8, s8, $0xb8;
	[tilespmem:$0x15900] =	vst v63  }
0x1d: {  	s18 =	simm.s32 $0x80;
	s14 =	simm.s32 $0x5900  }
0x1e: {  	[tilespmem:s14], [sflag:$0x3] =	stream.indirect.gather [hbm4b:s2+s8], $0x80, s18, s8, $0xb8;
	[tilespmem:$0x15900] =	vst v63  }
0x1f: {  	s19 =	simm.s32 $0xC0;
	p0 =	por $0x1, $0x1;
	s16 =	simm.s32 $0x7900  }
0x20: {  	[tilespmem:s16], [sflag:$0x4] =	stream.indirect.gather [hbm4b:s2+s8], $0x80, s19, s8, $0xb8;
	[tilespmem:$0x15900] =	vst v63  }
0x21: {  	s20 =	simm.s32 $0x100;
	p0 =	por p0, p0;
	s18 =	simm.s32 $0x9900  }
0x22: {  	[tilespmem:s18], [sflag:$0x5] =	stream.indirect.gather [hbm4b:s2+s8], $0x80, s20, s8, $0xb8;
	[tilespmem:$0x15900] =	vst v63  }
0x23: {  	s21 =	simm.s32 $0x140;
	s3 =	simm.s32 @!p0 $0x11;
	s19 =	simm.s32 $0xB900  }
0x24: {  	[tilespmem:s19], [sflag:$0x6] =	stream.indirect.gather [hbm4b:s2+s8], $0x80, s21, s8, $0xb8;
	[tilespmem:$0x15900] =	vst v63  }
0x25: {  	_ =	swait.ge @!p0 [sflag:s3], $0x2000  }
0x26: {  	s22 =	simm.s32 $0x180;
	[sflag:s3] =	ssyncset.done @!p0 $0x0  }
0x27: {  	s7 =	simm.s32 $0x1;
	s20 =	simm.s32 $0xD900;
	[sflag:s3] =	ssyncadd.s32 @!p0 $0xFFFFE000  }
0x28: {  	[tilespmem:s20], [sflag:$0x7] =	stream.indirect.gather [hbm4b:s2+s8], $0x80, s22, s8, $0xb8;
	[tilespmem:$0x15900] =	vst v63  }
0x29: {  	_ =	swait.ge [sflag:s7], $0x2000  }
0x2a: {  	[sflag:s7] =	ssyncset.done $0x0  }
0x2b: {  	s25 =	rddreg [dreg:$0x4];
	[sflag:s7] =	ssyncadd.s32 $0xFFFFE000  }
0x2c: {  	s12 =	rddreg [dreg:$0x2]  }
0x2d: {  	s7 =	simm.s32 @!p0 $0x12;
	s3 =	sadd.s32 s12, s25  }
0x2e: {  	[hbm4b:s3+s4] =	stream.linear.scatter [tilespmem:s9], [sflag:$0xB], $0x2000, $0x38;
	[tilespmem:$0x15900] =	vst v63  }
0x2f: {  	_ =	swait.ge @!p0 [sflag:s7], $0x2000  }
0x30: {  	s21 =	simm.s32 $0xF900;
	[sflag:s7] =	ssyncset.done @!p0 $0x0  }
0x31: {  	s22 =	simm.s32 $0x2;
	s9 =	simm.s32 $0x1C0;
	[sflag:s7] =	ssyncadd.s32 @!p0 $0xFFFFE000  }
0x32: {  	[tilespmem:s21], [sflag:$0x8] =	stream.indirect.gather [hbm4b:s2+s8], $0x80, s9, s8, $0xb8;
	[tilespmem:$0x15900] =	vst v63  }
0x33: {  	_ =	swait.ge [sflag:s22], $0x2000  }
0x34: {  	[sflag:s22] =	ssyncset.done $0x0  }
0x35: {  	s25 =	sadd.s32 $0x400, s3;
	s9 =	simm.s32 @!p0 $0x13;
	[sflag:s22] =	ssyncadd.s32 $0xFFFFE000  }
0x36: {  	[hbm4b:s25+s4] =	stream.linear.scatter [tilespmem:s10], [sflag:$0xC], $0x2000, $0x38;
	[tilespmem:$0x15900] =	vst v63  }
0x37: {  	_ =	swait.ge @!p0 [sflag:s9], $0x2000  }
0x38: {  	s22 =	simm.s32 $0x11900;
	[sflag:s9] =	ssyncset.done @!p0 $0x0  }
0x39: {  	s10 =	simm.s32 $0x3;
	[sflag:s9] =	ssyncadd.s32 @!p0 $0xFFFFE000;
	s9 =	simm.s32 $0x200  }
0x3a: {  	[tilespmem:s22], [sflag:$0x9] =	stream.indirect.gather [hbm4b:s2+s8], $0x80, s9, s8, $0xb8;
	[tilespmem:$0x15900] =	vst v63  }
0x3b: {  	_ =	swait.ge [sflag:s10], $0x2000  }
0x3c: {  	[sflag:s10] =	ssyncset.done $0x0  }
0x3d: {  	s25 =	sadd.s32 $0x800, s3;
	s9 =	simm.s32 @!p0 $0x14;
	[sflag:s10] =	ssyncadd.s32 $0xFFFFE000  }
0x3e: {  	[hbm4b:s25+s4] =	stream.linear.scatter [tilespmem:s14], [sflag:$0xD], $0x2000, $0x38;
	[tilespmem:$0x15900] =	vst v63  }
0x3f: {  	_ =	swait.ge @!p0 [sflag:s9], $0x2000  }
0x40: {  	[sflag:s9] =	ssyncset.done @!p0 $0x0  }
0x41: {  	s10 =	simm.s32 $0x240;
	[sflag:s9] =	ssyncadd.s32 @!p0 $0xFFFFE000  }
0x42: {  	[tilespmem:s23], [sflag:$0xA] =	stream.indirect.gather [hbm4b:s2+s8], $0x80, s10, s8, $0xb8;
	[tilespmem:$0x15900] =	vst v63  }
0x43: {  	_ =	swait.ge [sflag:s26], $0x2000  }
0x44: {  	[sflag:s26] =	ssyncset.done $0x0  }
0x45: {  	s14 =	sadd.s32 $0xC00, s3;
	[sflag:s26] =	ssyncadd.s32 $0xFFFFE000  }
0x46: {  	[hbm4b:s14+s4] =	stream.linear.scatter [tilespmem:s16], [sflag:$0xE], $0x2000, $0x38;
	[tilespmem:$0x15900] =	vst v63  }
0x47: {  	p0 =	por $0x0, $0x0;
	_ =	swait.ge [sflag:s28], $0x2000  }
0x48: {  	s7 =	simm.s32 @!p0 $0x1900;
	[sflag:s28] =	ssyncset.done $0x0  }
0x49: {  	s9 =	simm.s32 @!p0 $0x280;
	s10 =	simm.s32 @!p0 $0x40;
	[sflag:s28] =	ssyncadd.s32 $0xFFFFE000  }
0x4a: {  	[tilespmem:s7], [sflag:$0x1] =	stream.indirect.gather @!p0 [hbm4b:s2+s10], $0x80, s9, s10, $0xb8;
	[tilespmem:$0x15900] =	vst v63  }
0x4b: {  	_ =	swait.ge [sflag:s29], $0x2000  }
0x4c: {  	[sflag:s29] =	ssyncset.done $0x0  }
0x4d: {  	s16 =	sadd.s32 $0x1000, s3;
	[sflag:s29] =	ssyncadd.s32 $0xFFFFE000  }
0x4e: {  	[hbm4b:s16+s4] =	stream.linear.scatter [tilespmem:s18], [sflag:$0xF], $0x2000, $0x38;
	[tilespmem:$0x15900] =	vst v63  }
0x4f: {  	_ =	swait.ge [sflag:s30], $0x2000  }
0x50: {  	[sflag:s30] =	ssyncset.done $0x0  }
0x51: {  	s7 =	simm.s32 @!p0 $0x2C0;
	s9 =	simm.s32 @!p0 $0x3900;
	[sflag:s30] =	ssyncadd.s32 $0xFFFFE000  }
0x52: {  	[tilespmem:s9], [sflag:$0x2] =	stream.indirect.gather @!p0 [hbm4b:s2+s10], $0x80, s7, s10, $0xb8;
	[tilespmem:$0x15900] =	vst v63  }
0x53: {  	_ =	swait.ge [sflag:s31], $0x2000  }
0x54: {  	[sflag:s31] =	ssyncset.done $0x0  }
0x55: {  	s3 =	sadd.s32 $0x1400, s3;
	[sflag:s31] =	ssyncadd.s32 $0xFFFFE000  }
0x56: {  	[hbm4b:s3+s4] =	stream.linear.scatter [tilespmem:s19], [sflag:$0x10], $0x2000, $0x38;
	[tilespmem:$0x15900] =	vst v63  }
0x57: {  	_ =	swait.ge [sflag:s1], $0x2000  }
0x58: {  	[sflag:s1] =	ssyncset.done $0x0  }
0x59: {  	s7 =	simm.s32 @!p0 $0x5900;
	s3 =	simm.s32 @!p0 $0x300;
	[sflag:s1] =	ssyncadd.s32 $0xFFFFE000  }
0x5a: {  	[tilespmem:s7], [sflag:$0x3] =	stream.indirect.gather @!p0 [hbm4b:s2+s10], $0x80, s3, s10, $0xb8;
	[tilespmem:$0x15900] =	vst v63  }
0x5b: {  	_ =	swait.ge [sflag:s0], $0x2000  }
0x5c: {  	s19 =	rddreg [dreg:$0x8];
	[sflag:s0] =	ssyncset.done $0x0  }
0x5d: {  	[sflag:s0] =	ssyncadd.s32 $0xFFFFE000;
	s3 =	sadd.s32 s12, s19  }
0x5e: {  	[hbm4b:s3+s4] =	stream.linear.scatter [tilespmem:s20], [sflag:$0x11], $0x2000, $0x38;
	[tilespmem:$0x15900] =	vst v63  }
0x5f: {  	_ =	swait.ge [sflag:s11], $0x2000  }
0x60: {  	[sflag:s11] =	ssyncset.done $0x0  }
0x61: {  	s7 =	simm.s32 @!p0 $0x7900;
	s3 =	simm.s32 @!p0 $0x340;
	[sflag:s11] =	ssyncadd.s32 $0xFFFFE000  }
0x62: {  	[tilespmem:s7], [sflag:$0x4] =	stream.indirect.gather @!p0 [hbm4b:s2+s10], $0x80, s3, s10, $0xb8;
	[tilespmem:$0x15900] =	vst v63  }
0x63: {  	_ =	swait.ge [sflag:s13], $0x2000  }
0x64: {  	s20 =	rddreg [dreg:$0x7];
	[sflag:s13] =	ssyncset.done $0x0  }
0x65: {  	[sflag:s13] =	ssyncadd.s32 $0xFFFFE000;
	s3 =	sadd.s32 s12, s20  }
0x66: {  	[hbm4b:s3+s4] =	stream.linear.scatter [tilespmem:s21], [sflag:$0x12], $0x2000, $0x38;
	[tilespmem:$0x15900] =	vst v63  }
0x67: {  	_ =	swait.ge [sflag:s15], $0x2000  }
0x68: {  	[sflag:s15] =	ssyncset.done $0x0  }
0x69: {  	s7 =	simm.s32 @!p0 $0x9900;
	s3 =	simm.s32 @!p0 $0x380;
	[sflag:s15] =	ssyncadd.s32 $0xFFFFE000  }
0x6a: {  	[tilespmem:s7], [sflag:$0x5] =	stream.indirect.gather @!p0 [hbm4b:s2+s10], $0x80, s3, s10, $0xb8;
	[tilespmem:$0x15900] =	vst v63  }
0x6b: {  	_ =	swait.ge [sflag:s17], $0x2000  }
0x6c: {  	s23 =	rddreg [dreg:$0x6];
	[sflag:s17] =	ssyncset.done $0x0  }
0x6d: {  	[sflag:s17] =	ssyncadd.s32 $0xFFFFE000;
	s3 =	sadd.s32 s12, s23  }
0x6e: {  	[hbm4b:s3+s4] =	stream.linear.scatter [tilespmem:s22], [sflag:$0x13], $0x2000, $0x38;
	[tilespmem:$0x15900] =	vst v63  }
0x6f: {  	_ =	swait.ge [sflag:s5], $0x2000  }
0x70: {  	p6 =	por $0x0, $0x0;
	[sflag:s5] =	ssyncset.done $0x0  }
0x71: {  	s7 =	simm.s32 @!p0 $0xB900;
	s3 =	simm.s32 @!p0 $0x3C0;
	[sflag:s5] =	ssyncadd.s32 $0xFFFFE000  }
0x72: {  	[tilespmem:s7], [sflag:$0x6] =	stream.indirect.gather @!p0 [hbm4b:s2+s10], $0x80, s3, s10, $0xb8;
	[tilespmem:$0x15900] =	vst v63  }
0x73: {  	s9 =	simm.s32 $0x1400;
	s7 =	simm.s32 $0xA00;
	_ =	swait.ge [sflag:s6], $0x2000  }
0x74: {  	p0 =	por p6, p6;
	s25 =	rddreg [dreg:$0x5];
	[sflag:s6] =	ssyncset.done $0x0  }
0x75: {  	s3 =	sadd.s32 $0x2800, s12;
	[sflag:s6] =	ssyncadd.s32 $0xFFFFE000;
	s10 =	sadd.s32 s12, s25  }
.LBB2_2:
0x76: {  	s21 =	simm.s32 $0x13900;
	s14 =	simm.s32 @!p0 $0x11  }
0x77: {  	[hbm4b:s10+s4] =	stream.linear.scatter [tilespmem:s21], [sflag:$0x14], $0x2000, $0x38;
	[tilespmem:$0x15900] =	vst v63  }
0x78: {  	_ =	swait.ge @!p0 [sflag:s14], $0x2000  }
0x79: {  	s12 =	sshra.s32 s7, $0x2;
	[sflag:s14] =	ssyncset.done @!p0 $0x0  }
0x7a: {  	s20 =	simm.s32 $0xD900;
	s16 =	sadd.s32 $0x180, s12;
	[sflag:s14] =	ssyncadd.s32 @!p0 $0xFFFFE000  }
0x7b: {  	[tilespmem:s20], [sflag:$0x7] =	stream.indirect.gather [hbm4b:s2+s8], $0x80, s16, s8, $0xb8;
	[tilespmem:$0x15900] =	vst v63  }
0x7c: {  	s16 =	simm.s32 $0x1  }
0x7d: {  	_ =	swait.ge [sflag:s16], $0x2000  }
0x7e: {  	[sflag:s16] =	ssyncset.done $0x0  }
0x7f: {  	s18 =	rddreg [dreg:$0x4];
	[sflag:s16] =	ssyncadd.s32 $0xFFFFE000  }
0x80: {  	s14 =	sadd.s32 s3, s18;
	s16 =	simm.s32 @!p0 $0x12;
	s18 =	simm.s32 $0x1900  }
0x81: {  	[hbm4b:s14+s4] =	stream.linear.scatter [tilespmem:s18], [sflag:$0xB], $0x2000, $0x38;
	[tilespmem:$0x15900] =	vst v63  }
0x82: {  	_ =	swait.ge @!p0 [sflag:s16], $0x2000  }
0x83: {  	s22 =	simm.s32 $0xF900;
	[sflag:s16] =	ssyncset.done @!p0 $0x0  }
0x84: {  	s23 =	simm.s32 $0x2;
	s19 =	sadd.s32 $0x1C0, s12;
	[sflag:s16] =	ssyncadd.s32 @!p0 $0xFFFFE000  }
0x85: {  	[tilespmem:s22], [sflag:$0x8] =	stream.indirect.gather [hbm4b:s2+s8], $0x80, s19, s8, $0xb8;
	[tilespmem:$0x15900] =	vst v63  }
0x86: {  	_ =	swait.ge [sflag:s23], $0x2000  }
0x87: {  	s25 =	sadd.s32 $0x400, s14;
	[sflag:s23] =	ssyncset.done $0x0  }
0x88: {  	s18 =	simm.s32 @!p0 $0x13;
	s19 =	simm.s32 $0x3900;
	[sflag:s23] =	ssyncadd.s32 $0xFFFFE000  }
0x89: {  	[hbm4b:s25+s4] =	stream.linear.scatter [tilespmem:s19], [sflag:$0xC], $0x2000, $0x38;
	[tilespmem:$0x15900] =	vst v63  }
0x8a: {  	_ =	swait.ge @!p0 [sflag:s18], $0x2000  }
0x8b: {  	[sflag:s18] =	ssyncset.done @!p0 $0x0  }
0x8c: {  	s19 =	simm.s32 $0x3;
	[sflag:s18] =	ssyncadd.s32 @!p0 $0xFFFFE000;
	s18 =	sadd.s32 $0x200, s12  }
0x8d: {  	[tilespmem:s24], [sflag:$0x9] =	stream.indirect.gather [hbm4b:s2+s8], $0x80, s18, s8, $0xb8;
	[tilespmem:$0x15900] =	vst v63  }
0x8e: {  	_ =	swait.ge [sflag:s19], $0x2000  }
0x8f: {  	s23 =	sadd.s32 $0x800, s14;
	[sflag:s19] =	ssyncset.done $0x0  }
0x90: {  	s25 =	simm.s32 $0x5900;
	s18 =	simm.s32 @!p0 $0x14;
	[sflag:s19] =	ssyncadd.s32 $0xFFFFE000  }
0x91: {  	[hbm4b:s23+s4] =	stream.linear.scatter [tilespmem:s25], [sflag:$0xD], $0x2000, $0x38;
	[tilespmem:$0x15900] =	vst v63  }
0x92: {  	_ =	swait.ge @!p0 [sflag:s18], $0x2000  }
0x93: {  	[sflag:s18] =	ssyncset.done @!p0 $0x0  }
0x94: {  	s12 =	sadd.s32 $0x240, s12;
	[sflag:s18] =	ssyncadd.s32 @!p0 $0xFFFFE000  }
0x95: {  	[tilespmem:s21], [sflag:$0xA] =	stream.indirect.gather [hbm4b:s2+s8], $0x80, s12, s8, $0xb8;
	[tilespmem:$0x15900] =	vst v63  }
0x96: {  	s10 =	smov.u32 s9;
	_ =	swait.ge [sflag:s26], $0x2000  }
0x97: {  	p2 =	seq.s32 s10, $0x0;
	s16 =	sadd.s32 $0xC00, s14;
	[sflag:s26] =	ssyncset.done $0x0  }
0x98: {  	s25 =	sadd.s32 $0x1000, s14;
	s18 =	simm.s32 $0x7900;
	[sflag:s26] =	ssyncadd.s32 $0xFFFFE000  }
0x99: {  	[hbm4b:s16+s4] =	stream.linear.scatter [tilespmem:s18], [sflag:$0xE], $0x2000, $0x38;
	[tilespmem:$0x15900] =	vst v63  }
0x9a: {  	p0 =	por p2, p2;
	p2 =	seq.s32 s7, $0x5A00;
	_ =	swait.ge [sflag:s28], $0x2000  }
0x9b: {  	s7 =	sshra.s32 @!p2 s7, $0x2;
	s12 =	simm.s32 @!p2 $0x40;
	[sflag:s28] =	ssyncset.done $0x0  }
0x9c: {  	s16 =	simm.s32 @!p2 $0x1900;
	s18 =	sadd.s32 @!p2 $0x280, s7;
	[sflag:s28] =	ssyncadd.s32 $0xFFFFE000  }
0x9d: {  	[tilespmem:s16], [sflag:$0x1] =	stream.indirect.gather @!p2 [hbm4b:s2+s12], $0x80, s18, s12, $0xb8;
	[tilespmem:$0x15900] =	vst v63  }
0x9e: {  	s19 =	sadd.s32 @!p2 $0x2C0, s7;
	s21 =	sadd.s32 @!p2 $0x300, s7;
	_ =	swait.ge [sflag:s29], $0x2000  }
0x9f: {  	s23 =	sadd.s32 @!p2 $0x340, s7;
	s18 =	sadd.s32 @!p2 $0x380, s7;
	[sflag:s29] =	ssyncset.done $0x0  }
0xa0: {  	s16 =	sadd.s32 @!p2 $0x3C0, s7;
	s7 =	simm.s32 $0x9900;
	[sflag:s29] =	ssyncadd.s32 $0xFFFFE000  }
0xa1: {  	[hbm4b:s25+s4] =	stream.linear.scatter [tilespmem:s7], [sflag:$0xF], $0x2000, $0x38;
	[tilespmem:$0x15900] =	vst v63  }
0xa2: {  	_ =	swait.ge [sflag:s30], $0x2000  }
0xa3: {  	[sflag:s30] =	ssyncset.done $0x0  }
0xa4: {  	s7 =	smov.u32 s10;
	s10 =	simm.s32 @!p2 $0x3900;
	[sflag:s30] =	ssyncadd.s32 $0xFFFFE000  }
0xa5: {  	[tilespmem:s10], [sflag:$0x2] =	stream.indirect.gather @!p2 [hbm4b:s2+s12], $0x80, s19, s12, $0xb8;
	[tilespmem:$0x15900] =	vst v63  }
0xa6: {  	_ =	swait.ge [sflag:s31], $0x2000  }
0xa7: {  	[sflag:s31] =	ssyncset.done $0x0  }
0xa8: {  	s25 =	simm.s32 $0xB900;
	s19 =	sadd.s32 $0x1400, s14;
	[sflag:s31] =	ssyncadd.s32 $0xFFFFE000  }
0xa9: {  	[hbm4b:s19+s4] =	stream.linear.scatter [tilespmem:s25], [sflag:$0x10], $0x2000, $0x38;
	[tilespmem:$0x15900] =	vst v63  }
0xaa: {  	_ =	swait.ge [sflag:s1], $0x2000  }
0xab: {  	[sflag:s1] =	ssyncset.done $0x0  }
0xac: {  	s10 =	simm.s32 @!p2 $0x5900;
	[sflag:s1] =	ssyncadd.s32 $0xFFFFE000  }
0xad: {  	[tilespmem:s10], [sflag:$0x3] =	stream.indirect.gather @!p2 [hbm4b:s2+s12], $0x80, s21, s12, $0xb8;
	[tilespmem:$0x15900] =	vst v63  }
0xae: {  	_ =	swait.ge [sflag:s0], $0x2000  }
0xaf: {  	s19 =	rddreg [dreg:$0x8];
	[sflag:s0] =	ssyncset.done $0x0  }
0xb0: {  	[sflag:s0] =	ssyncadd.s32 $0xFFFFE000;
	s10 =	sadd.s32 s3, s19  }
0xb1: {  	[hbm4b:s10+s4] =	stream.linear.scatter [tilespmem:s20], [sflag:$0x11], $0x2000, $0x38;
	[tilespmem:$0x15900] =	vst v63  }
0xb2: {  	_ =	swait.ge [sflag:s11], $0x2000  }
0xb3: {  	[sflag:s11] =	ssyncset.done $0x0  }
0xb4: {  	s10 =	simm.s32 @!p2 $0x7900;
	[sflag:s11] =	ssyncadd.s32 $0xFFFFE000  }
0xb5: {  	[tilespmem:s10], [sflag:$0x4] =	stream.indirect.gather @!p2 [hbm4b:s2+s12], $0x80, s23, s12, $0xb8;
	[tilespmem:$0x15900] =	vst v63  }
0xb6: {  	_ =	swait.ge [sflag:s13], $0x2000  }
0xb7: {  	s21 =	rddreg [dreg:$0x7];
	[sflag:s13] =	ssyncset.done $0x0  }
0xb8: {  	[sflag:s13] =	ssyncadd.s32 $0xFFFFE000;
	s10 =	sadd.s32 s3, s21  }
0xb9: {  	[hbm4b:s10+s4] =	stream.linear.scatter [tilespmem:s22], [sflag:$0x12], $0x2000, $0x38;
	[tilespmem:$0x15900] =	vst v63  }
0xba: {  	_ =	swait.ge [sflag:s15], $0x2000  }
0xbb: {  	[sflag:s15] =	ssyncset.done $0x0  }
0xbc: {  	s10 =	simm.s32 @!p2 $0x9900;
	[sflag:s15] =	ssyncadd.s32 $0xFFFFE000  }
0xbd: {  	[tilespmem:s10], [sflag:$0x5] =	stream.indirect.gather @!p2 [hbm4b:s2+s12], $0x80, s18, s12, $0xb8;
	[tilespmem:$0x15900] =	vst v63  }
0xbe: {  	_ =	swait.ge [sflag:s17], $0x2000  }
0xbf: {  	s23 =	rddreg [dreg:$0x6];
	[sflag:s17] =	ssyncset.done $0x0  }
0xc0: {  	[sflag:s17] =	ssyncadd.s32 $0xFFFFE000;
	s10 =	sadd.s32 s3, s23  }
0xc1: {  	[hbm4b:s10+s4] =	stream.linear.scatter [tilespmem:s24], [sflag:$0x13], $0x2000, $0x38;
	[tilespmem:$0x15900] =	vst v63  }
0xc2: {  	s9 =	sadd.s32 $0xA00, s9;
	_ =	swait.ge [sflag:s5], $0x2000  }
0xc3: {  	p1 =	sne.s32 s9, $0x6400;
	[sflag:s5] =	ssyncset.done $0x0  }
.Ltmp0:
0xc4: {  	s10 =	simm.s32 @!p2 $0xB900;
	[sflag:s5] =	ssyncadd.s32 $0xFFFFE000;
	(pc) =	sbr.rel @p1 .LBB2_2-.Ltmp0, $4  }
0xc5: {  	[tilespmem:s10], [sflag:$0x6] =	stream.indirect.gather @!p2 [hbm4b:s2+s12], $0x80, s16, s12, $0xb8;
	[tilespmem:$0x15900] =	vst v63  }
0xc6: {  	_ =	swait.ge [sflag:s6], $0x2000  }
0xc7: {  	[sflag:s6] =	ssyncset.done $0x0;
	s25 =	rddreg [dreg:$0x5]  }
0xc8: {  	[sflag:s6] =	ssyncadd.s32 $0xFFFFE000;
	s10 =	sadd.s32 s3, s25;
	s3 =	sadd.s32 $0x2800, s3  }
0xc9: {  	s21 =	simm.s32 $0x13900;
	s9 =	simm.s32 @!p0 $0x11  }
0xca: {  	[hbm4b:s10+s4] =	stream.linear.scatter [tilespmem:s21], [sflag:$0x14], $0x2000, $0x38;
	[tilespmem:$0x15900] =	vst v63  }
0xcb: {  	_ =	swait.ge @!p0 [sflag:s9], $0x2000  }
0xcc: {  	s18 =	simm.s32 $0xD900;
	s10 =	sshra.s32 s7, $0x2;
	[sflag:s9] =	ssyncset.done @!p0 $0x0  }
0xcd: {  	s12 =	simm.s32 $0x1;
	s19 =	sadd.s32 $0x180, s10;
	[sflag:s9] =	ssyncadd.s32 @!p0 $0xFFFFE000  }
0xce: {  	[tilespmem:s18], [sflag:$0x7] =	stream.indirect.gather [hbm4b:s2+s8], $0x80, s19, s8, $0xb8;
	[tilespmem:$0x15900] =	vst v63  }
0xcf: {  	_ =	swait.ge [sflag:s12], $0x2000  }
0xd0: {  	s14 =	simm.s32 $0x1900;
	s20 =	rddreg [dreg:$0x4];
	[sflag:s12] =	ssyncset.done $0x0  }
0xd1: {  	[sflag:s12] =	ssyncadd.s32 $0xFFFFE000;
	s9 =	sadd.s32 s3, s20;
	s12 =	simm.s32 @!p0 $0x12  }
0xd2: {  	[hbm4b:s9+s4] =	stream.linear.scatter [tilespmem:s14], [sflag:$0xB], $0x2000, $0x38;
	[tilespmem:$0x15900] =	vst v63  }
0xd3: {  	_ =	swait.ge @!p0 [sflag:s12], $0x2000  }
0xd4: {  	s23 =	simm.s32 $0x2;
	[sflag:s12] =	ssyncset.done @!p0 $0x0  }
0xd5: {  	s22 =	sadd.s32 $0x1C0, s10;
	s19 =	simm.s32 $0xF900;
	[sflag:s12] =	ssyncadd.s32 @!p0 $0xFFFFE000  }
0xd6: {  	[tilespmem:s19], [sflag:$0x8] =	stream.indirect.gather [hbm4b:s2+s8], $0x80, s22, s8, $0xb8;
	[tilespmem:$0x15900] =	vst v63  }
0xd7: {  	_ =	swait.ge [sflag:s23], $0x2000  }
0xd8: {  	s16 =	simm.s32 $0x3900;
	[sflag:s23] =	ssyncset.done $0x0  }
0xd9: {  	s25 =	sadd.s32 $0x400, s9;
	s14 =	simm.s32 @!p0 $0x13;
	[sflag:s23] =	ssyncadd.s32 $0xFFFFE000  }
0xda: {  	[hbm4b:s25+s4] =	stream.linear.scatter [tilespmem:s16], [sflag:$0xC], $0x2000, $0x38;
	[tilespmem:$0x15900] =	vst v63  }
0xdb: {  	_ =	swait.ge @!p0 [sflag:s14], $0x2000  }
0xdc: {  	s20 =	simm.s32 $0x11900;
	[sflag:s14] =	ssyncset.done @!p0 $0x0  }
0xdd: {  	s22 =	simm.s32 $0x3;
	s16 =	sadd.s32 $0x200, s10;
	[sflag:s14] =	ssyncadd.s32 @!p0 $0xFFFFE000  }
0xde: {  	[tilespmem:s20], [sflag:$0x9] =	stream.indirect.gather [hbm4b:s2+s8], $0x80, s16, s8, $0xb8;
	[tilespmem:$0x15900] =	vst v63  }
0xdf: {  	_ =	swait.ge [sflag:s22], $0x2000  }
0xe0: {  	s23 =	sadd.s32 $0x800, s9;
	[sflag:s22] =	ssyncset.done $0x0  }
0xe1: {  	s25 =	simm.s32 $0x5900;
	s14 =	simm.s32 @!p0 $0x14;
	[sflag:s22] =	ssyncadd.s32 $0xFFFFE000  }
0xe2: {  	[hbm4b:s23+s4] =	stream.linear.scatter [tilespmem:s25], [sflag:$0xD], $0x2000, $0x38;
	[tilespmem:$0x15900] =	vst v63  }
0xe3: {  	_ =	swait.ge @!p0 [sflag:s14], $0x2000  }
0xe4: {  	[sflag:s14] =	ssyncset.done @!p0 $0x0  }
0xe5: {  	s10 =	sadd.s32 $0x240, s10;
	[sflag:s14] =	ssyncadd.s32 @!p0 $0xFFFFE000  }
0xe6: {  	[tilespmem:s21], [sflag:$0xA] =	stream.indirect.gather [hbm4b:s2+s8], $0x80, s10, s8, $0xb8;
	[tilespmem:$0x15900] =	vst v63  }
0xe7: {  	_ =	swait.ge [sflag:s26], $0x2000  }
0xe8: {  	[sflag:s26] =	ssyncset.done $0x0  }
0xe9: {  	s12 =	sadd.s32 $0xC00, s9;
	s14 =	simm.s32 $0x7900;
	[sflag:s26] =	ssyncadd.s32 $0xFFFFE000  }
0xea: {  	[hbm4b:s12+s4] =	stream.linear.scatter [tilespmem:s14], [sflag:$0xE], $0x2000, $0x38;
	[tilespmem:$0x15900] =	vst v63  }
0xeb: {  	p0 =	seq.s32 s7, $0x5A00;
	_ =	swait.ge [sflag:s28], $0x2000  }
0xec: {  	s7 =	sshra.s32 @!p0 s7, $0x2;
	s10 =	simm.s32 @!p0 $0x1900;
	[sflag:s28] =	ssyncset.done $0x0  }
0xed: {  	s12 =	sadd.s32 @!p0 $0x280, s7;
	s14 =	simm.s32 @!p0 $0x40;
	[sflag:s28] =	ssyncadd.s32 $0xFFFFE000  }
0xee: {  	[tilespmem:s10], [sflag:$0x1] =	stream.indirect.gather @!p0 [hbm4b:s2+s14], $0x80, s12, s14, $0xb8;
	[tilespmem:$0x15900] =	vst v63  }
0xef: {  	_ =	swait.ge [sflag:s29], $0x2000  }
0xf0: {  	[sflag:s29] =	ssyncset.done $0x0  }
0xf1: {  	s16 =	sadd.s32 $0x1000, s9;
	s22 =	simm.s32 $0x9900;
	[sflag:s29] =	ssyncadd.s32 $0xFFFFE000  }
0xf2: {  	[hbm4b:s16+s4] =	stream.linear.scatter [tilespmem:s22], [sflag:$0xF], $0x2000, $0x38;
	[tilespmem:$0x15900] =	vst v63  }
0xf3: {  	_ =	swait.ge [sflag:s30], $0x2000  }
0xf4: {  	[sflag:s30] =	ssyncset.done $0x0  }
0xf5: {  	s10 =	sadd.s32 @!p0 $0x2C0, s7;
	s12 =	simm.s32 @!p0 $0x3900;
	[sflag:s30] =	ssyncadd.s32 $0xFFFFE000  }
0xf6: {  	[tilespmem:s12], [sflag:$0x2] =	stream.indirect.gather @!p0 [hbm4b:s2+s14], $0x80, s10, s14, $0xb8;
	[tilespmem:$0x15900] =	vst v63  }
0xf7: {  	_ =	swait.ge [sflag:s31], $0x2000  }
0xf8: {  	[sflag:s31] =	ssyncset.done $0x0  }
0xf9: {  	s9 =	sadd.s32 $0x1400, s9;
	s23 =	simm.s32 $0xB900;
	[sflag:s31] =	ssyncadd.s32 $0xFFFFE000  }
0xfa: {  	[hbm4b:s9+s4] =	stream.linear.scatter [tilespmem:s23], [sflag:$0x10], $0x2000, $0x38;
	[tilespmem:$0x15900] =	vst v63  }
0xfb: {  	_ =	swait.ge [sflag:s1], $0x2000  }
0xfc: {  	[sflag:s1] =	ssyncset.done $0x0  }
0xfd: {  	s10 =	simm.s32 @!p0 $0x5900;
	s9 =	sadd.s32 @!p0 $0x300, s7;
	[sflag:s1] =	ssyncadd.s32 $0xFFFFE000  }
0xfe: {  	[tilespmem:s10], [sflag:$0x3] =	stream.indirect.gather @!p0 [hbm4b:s2+s14], $0x80, s9, s14, $0xb8;
	[tilespmem:$0x15900] =	vst v63  }
0xff: {  	_ =	swait.ge [sflag:s0], $0x2000  }
0x100: {  	s25 =	rddreg [dreg:$0x8];
	[sflag:s0] =	ssyncset.done $0x0  }
0x101: {  	[sflag:s0] =	ssyncadd.s32 $0xFFFFE000;
	s9 =	sadd.s32 s3, s25  }
0x102: {  	[hbm4b:s9+s4] =	stream.linear.scatter [tilespmem:s18], [sflag:$0x11], $0x2000, $0x38;
	[tilespmem:$0x15900] =	vst v63  }
0x103: {  	_ =	swait.ge [sflag:s11], $0x2000  }
0x104: {  	[sflag:s11] =	ssyncset.done $0x0  }
0x105: {  	s10 =	simm.s32 @!p0 $0x7900;
	s9 =	sadd.s32 @!p0 $0x340, s7;
	[sflag:s11] =	ssyncadd.s32 $0xFFFFE000  }
0x106: {  	[tilespmem:s10], [sflag:$0x4] =	stream.indirect.gather @!p0 [hbm4b:s2+s14], $0x80, s9, s14, $0xb8;
	[tilespmem:$0x15900] =	vst v63  }
0x107: {  	_ =	swait.ge [sflag:s13], $0x2000  }
0x108: {  	s10 =	rddreg [dreg:$0x7];
	[sflag:s13] =	ssyncset.done $0x0  }
0x109: {  	[sflag:s13] =	ssyncadd.s32 $0xFFFFE000;
	s9 =	sadd.s32 s3, s10  }
0x10a: {  	[hbm4b:s9+s4] =	stream.linear.scatter [tilespmem:s19], [sflag:$0x12], $0x2000, $0x38;
	[tilespmem:$0x15900] =	vst v63  }
0x10b: {  	_ =	swait.ge [sflag:s15], $0x2000  }
0x10c: {  	[sflag:s15] =	ssyncset.done $0x0  }
0x10d: {  	s10 =	simm.s32 @!p0 $0x9900;
	s9 =	sadd.s32 @!p0 $0x380, s7;
	[sflag:s15] =	ssyncadd.s32 $0xFFFFE000  }
0x10e: {  	[tilespmem:s10], [sflag:$0x5] =	stream.indirect.gather @!p0 [hbm4b:s2+s14], $0x80, s9, s14, $0xb8;
	[tilespmem:$0x15900] =	vst v63  }
0x10f: {  	_ =	swait.ge [sflag:s17], $0x2000  }
0x110: {  	s12 =	rddreg [dreg:$0x6];
	[sflag:s17] =	ssyncset.done $0x0  }
0x111: {  	[sflag:s17] =	ssyncadd.s32 $0xFFFFE000;
	s9 =	sadd.s32 s3, s12  }
0x112: {  	[hbm4b:s9+s4] =	stream.linear.scatter [tilespmem:s20], [sflag:$0x13], $0x2000, $0x38;
	[tilespmem:$0x15900] =	vst v63  }
0x113: {  	_ =	swait.ge [sflag:s5], $0x2000  }
0x114: {  	[sflag:s5] =	ssyncset.done $0x0  }
0x115: {  	s7 =	sadd.s32 @!p0 $0x3C0, s7;
	s9 =	simm.s32 @!p0 $0xB900;
	[sflag:s5] =	ssyncadd.s32 $0xFFFFE000  }
0x116: {  	[tilespmem:s9], [sflag:$0x6] =	stream.indirect.gather @!p0 [hbm4b:s2+s14], $0x80, s7, s14, $0xb8;
	[tilespmem:$0x15900] =	vst v63  }
0x117: {  	_ =	swait.ge [sflag:s6], $0x2000  }
0x118: {  	s14 =	rddreg [dreg:$0x5];
	[sflag:s6] =	ssyncset.done $0x0  }
0x119: {  	s18 =	simm.s32 $0x11;
	s16 =	sadd.s32 s3, s14;
	[sflag:s6] =	ssyncadd.s32 $0xFFFFE000  }
0x11a: {  	[hbm4b:s16+s4] =	stream.linear.scatter [tilespmem:s21], [sflag:$0x14], $0x2000, $0x38;
	[tilespmem:$0x15900] =	vst v63  }
0x11b: {  	_ =	swait.ge [sflag:s18], $0x2000  }
0x11c: {  	[sflag:s18] =	ssyncset.done $0x0  }
0x11d: {  	s19 =	simm.s32 $0x12;
	[sflag:s18] =	ssyncadd.s32 $0xFFFFE000  }
0x11e: {  	_ =	swait.ge [sflag:s19], $0x2000  }
0x11f: {  	[sflag:s19] =	ssyncset.done $0x0  }
0x120: {  	s20 =	simm.s32 $0x13;
	[sflag:s19] =	ssyncadd.s32 $0xFFFFE000  }
0x121: {  	_ =	swait.ge [sflag:s20], $0x2000  }
0x122: {  	[sflag:s20] =	ssyncset.done $0x0  }
0x123: {  	s21 =	simm.s32 $0x14;
	[sflag:s20] =	ssyncadd.s32 $0xFFFFE000  }
0x124: {  	_ =	swait.ge [sflag:s21], $0x2000  }
0x125: {  	s22 =	rddreg [dreg:$0xb]  }
0x126: {  	s25 =	rddreg [dreg:$0xa];
	s9 =	sadd.s32 $0x1, s22  }
0x127: {  	p0 =	sne.s32 s9, s25  }
.Ltmp1:
0x128: {  	_ = 	snop;
	(pc) =	sbr.rel @p0 .LBB2_1-.Ltmp1, $3  }
0x129: {  	_ =	sdelay $0x1  }
0x12a: {  	[sflag:s21] =	ssyncset.done $0x0  }
0x12b: {  	s23 =	simm.s32 $0x13900;
	[sflag:s21] =	ssyncadd.s32 $0xFFFFE000  }
0x12c: {  	_ =	sfence.sel $0x180000  }
0x12d: {  	[bflag:$0x0] =	sbarrier.arrive $0xFFFF  }
0x12e: {  	_ =	strace $0x90000047  }
0x12f: {  	s0 =	stileid.u32;
	[bflag:$0x2] =	sbarrier.arrive $0xFFFF  }
0x130: {  	p0 =	sne.s32 s0, $0x0;
	s0 =	rddreg [dreg:$0x3]  }
0x131: {  	s0 =	sadd.s32 @!p0 $0x100000, s0  }
0x132: {  	[sflag:s0] =	ssyncadd.tile.s32 @!p0 $0x1;
	_ =	shalt  }
.Lfunc_end2:
_tile_overlayer_lowered:
.L_overlay_start_2:
0x133: {  	(tag) =	ssettag $0x2  }
0x134: {  	s0 =	rddreg [dreg:$0x0];
	s2 =	stileid.u32  }
0x135: {  	s1 =	rddreg [dreg:$0x1];
	p0 =	sne.s32 s2, $0x0  }
0x136: {  	s3 =	rddreg [dreg:$0x2];
	[bflag:$0x3] =	sbarrier.arrive $0xFFFF;
	s2 =	simm.s32 @!p0 $0x1C15  }
0x137: {  	[timem:s3], [sflag:s2] =	dma.local @!p0 [hbm:s0], s1  }
0x138: {  	s0 =	simm.s32 @!p0 $0x15  }
0x139: {  	_ =	swait.ge @!p0 [sflag:s0], s1  }
0x13a: {  	s1 =	ssub.s32 @!p0 $0x0, s1;
	[sflag:s0] =	ssyncset.done @!p0 $0x0  }
0x13b: {  	[sflag:s0] =	ssyncadd.s32 @!p0 s1  }
0x13c: {  	[bflag:$0x3] =	sbarrier.arrive $0xFFFF  }
0x13d: {  	_ =	shalt  }

</sc_bundles>
